<compile_context>
chip_gen: v7x
topology: tpu7x:2x2x1
jax: 0.10.2.dev20260603
libtpu: 0.0.44.dev20260713+nightly
codegen_flags: <defaults>
</compile_context>

<pallas_src>
import functools

import numpy as np
import jax
import jax.numpy as jnp
from jax import lax
from jax.experimental import pallas as pl
from jax.experimental.pallas import tpu as pltpu
from jax.experimental.pallas import tpu_sc as plsc

MUL = 16
F = 4 * MUL
SQRT2 = 2.0 ** 0.5
SQRT3 = 3.0 ** 0.5
SQRT5 = 5.0 ** 0.5

NC, NS = 2, 16
NW = NC * NS
K = 128
G = 5
GK = G * K
GS = 2
GKS = GS * K
HALF = F // 2

NB_NODE = 2000
EB_EDGE = 6400


def _permute_body(x_ref, p_ref, o_ref):
    o_ref[...] = jnp.dot(x_ref[...], p_ref[...],
                         preferred_element_type=jnp.float32)


def _final_body(a_ref, wb_ref, nf_ref, o_ref):
    wb = wb_ref[...]
    lin = jnp.dot(a_ref[0], wb[:HALF, :], preferred_element_type=jnp.float32)
    lin += jnp.dot(a_ref[1], wb[HALF:, :], preferred_element_type=jnp.float32)
    o_ref[...] = lin + nf_ref[...]


def _tdot(lhs_t, rhs):
    return lax.dot_general(lhs_t, rhs, (((0,), (0,)), ((), ())),
                           preferred_element_type=jnp.float32)


def _msg_body(evt_ref, x_ref, w1_ref, w2_ref, wq3_ref, xm_ref, gm_ref,
              cc_ref, cm_ref, o_ref):
    evt = evt_ref[...]
    sq = evt * evt
    r2 = sq[0:1, :] + sq[1:2, :] + sq[2:3, :] + 1e-12
    rr = jnp.sqrt(r2)
    inv = 1.0 / rr
    inv2 = inv * inv
    n_t = evt * inv
    na_t = sq * inv2
    nrot_t = jnp.concatenate([n_t[1:3, :], n_t[0:1, :]], axis=0)
    nall_t = jnp.concatenate([n_t, na_t, n_t * nrot_t], axis=0)
    h = _tdot(rr, w1_ref[...])
    h = h * jax.nn.sigmoid(h)
    h = jnp.dot(h, w2_ref[...], preferred_element_type=jnp.float32)
    h = h * jax.nn.sigmoid(h)
    wq = jnp.dot(h, wq3_ref[...], preferred_element_type=jnp.float32)
    xcat = jnp.dot(x_ref[...], xm_ref[...], preferred_element_type=jnp.float32)
    gcat = _tdot(nall_t, gm_ref[...]) + cc_ref[...]
    z = (xcat * gcat * wq).astype(jnp.bfloat16)
    o_ref[...] = jnp.dot(z, cm_ref[...], preferred_element_type=jnp.float32)


SQRT15 = 15.0 ** 0.5


def _msg_consts6():
    u = np.arange(MUL)
    w6 = 6 * F

    def sub(b, c):
        return F * b + MUL * c + u

    def blk(b):
        return MUL * b + u

    qm = np.zeros((80, w6), np.float32)
    qm[u, sub(0, 0)] = 1.0 / SQRT2
    for c in (1, 2, 3):
        qm[16 + u, sub(0, c)] = 1.0 / SQRT3
        qm[64 + u, sub(1, c)] = 1.0 / SQRT15
        qm[64 + u, sub(2, c)] = 1.0 / SQRT15
        qm[64 + u, sub(3, c)] = 1.0 / SQRT15
        qm[48 + u, sub(4, c)] = 1.0 / (SQRT3 * SQRT2)
        qm[32 + u, sub(5, c)] = 1.0 / SQRT3
    s0 = np.zeros((F, F), np.float32)
    for b in range(4):
        s0[u, blk(b)] = 1.0
    mr1 = np.zeros((F, F), np.float32)
    mr1[blk(2), blk(1)] = 1.0
    mr1[blk(3), blk(2)] = 1.0
    mr1[blk(1), blk(3)] = 1.0
    mr2 = np.zeros((F, F), np.float32)
    mr2[blk(3), blk(1)] = 1.0
    mr2[blk(1), blk(2)] = 1.0
    mr2[blk(2), blk(3)] = 1.0
    eye = np.eye(F, dtype=np.float32)
    xm = np.concatenate([s0, eye, mr1, mr2, eye, eye], axis=1)
    xm = _perm_matrix() @ xm
    gm = np.zeros((9, w6), np.float32)
    for c in (1, 2, 3):
        gm[c - 1, sub(0, c)] = SQRT3
        gm[c - 1, sub(4, c)] = SQRT3
    gm[3, sub(1, 1)] = SQRT15 / 2
    gm[4, sub(1, 1)] = -SQRT15 / 2
    gm[5, sub(1, 1)] = -SQRT15 / 2
    gm[3, sub(1, 2)] = -SQRT15 / 2
    gm[4, sub(1, 2)] = SQRT15 / 2
    gm[5, sub(1, 2)] = -SQRT15 / 2
    gm[5, sub(1, 3)] = SQRT15
    gm[6, sub(2, 1)] = SQRT15
    gm[7, sub(2, 2)] = SQRT15
    gm[8, sub(2, 3)] = SQRT15
    gm[8, sub(3, 1)] = SQRT15
    gm[6, sub(3, 2)] = SQRT15
    gm[7, sub(3, 3)] = SQRT15
    cc = np.zeros((1, w6), np.float32)
    cc[0, sub(0, 0)] = 1.0
    cc[0, sub(1, 1)] = SQRT15 / 6
    cc[0, sub(1, 2)] = SQRT15 / 6
    cc[0, sub(1, 3)] = -SQRT15 / 3
    cc[0, F * 5:F * 6] = 1.0
    cm = np.zeros((w6, F), np.float32)
    for b in (0, 1, 2, 3, 5):
        for c in range(4):
            cm[sub(b, c), MUL * c + u] = 1.0
    for c in (1, 2, 3):
        cm[sub(4, c), u] = 1.0
    return qm, xm, gm, cc, cm


def _run_msg(edge_vec, x_src, W1, W2, W3, interpret=False):
    n_edges = x_src.shape[0]
    qm, xm, gm, cc, cm = _msg_consts6()
    wq3 = jnp.dot(W3 * 0.125, jnp.asarray(qm))
    xmj = jnp.asarray(xm)
    cm16 = jnp.asarray(cm, dtype=jnp.bfloat16)
    gmj, ccj = jnp.asarray(gm), jnp.asarray(cc)
    consts = [wq3, xmj, gmj, ccj, cm16]
    cspecs = [pl.BlockSpec(c.shape, lambda i: (0, 0)) for c in consts]
    return pl.pallas_call(
        _msg_body,
        grid=(n_edges // EB_EDGE,),
        in_specs=[pl.BlockSpec((3, EB_EDGE), lambda i: (0, i)),
                  pl.BlockSpec((EB_EDGE, F), lambda i: (i, 0)),
                  pl.BlockSpec(W1.shape, lambda i: (0, 0)),
                  pl.BlockSpec(W2.shape, lambda i: (0, 0))] + cspecs,
        out_specs=pl.BlockSpec((EB_EDGE, F), lambda i: (i, 0)),
        out_shape=jax.ShapeDtypeStruct((n_edges, F), jnp.float32),
        interpret=interpret,
    )(edge_vec.T, x_src, W1, W2 * 0.125, *consts)


def _perm_matrix():
    p = np.zeros((F, F), np.float32)
    p[np.arange(MUL), np.arange(MUL)] = 1.0
    for c in range(3):
        for u in range(MUL):
            p[MUL + 3 * u + c, MUL + MUL * c + u] = 1.0
    return p


def _folded_linear(wl0, wl1):
    wb = jnp.zeros((F, F), jnp.float32)
    wb = wb.at[:MUL, :MUL].set(wl0 * 0.25)
    cc, uu, vv = np.meshgrid(np.arange(3), np.arange(MUL), np.arange(MUL),
                             indexing="ij")
    rows = MUL + MUL * cc + uu
    cols = MUL + 3 * vv + cc
    vals = jnp.broadcast_to(wl1 * 0.25, (3, MUL, MUL))
    return wb.at[rows, cols].set(vals)


def kernel(node_feat, edge_index, edge_vec, W1, W2, W3, Wl0, Wl1):
    n_nodes = node_feat.shape[0]
    n_edges = edge_vec.shape[0]
    assert n_edges % (K * G) == 0 and n_edges % (K * GS) == 0
    nch = n_edges // K
    ng = nch // G
    ngs = nch // GS
    pw_g = (-(-ng // NW) + 1) // 2 * 2
    pt_g = (-(-ngs // NS) + 1) // 2 * 2
    n_pad = -(-n_nodes // (NS * 8)) * NS * 8
    rows_t = n_pad // NS

    src_r = edge_index[0].reshape(nch, K)
    dst_r = edge_index[1].reshape(nch, K)

    mesh = plsc.VectorSubcoreMesh(core_axis_name="c", subcore_axis_name="s",
                                  num_cores=NC, num_subcores=NS)
    scp = pltpu.CompilerParams(use_tc_tiling_on_sc=False)

    @functools.partial(
        pl.kernel,
        out_type=jax.ShapeDtypeStruct((n_edges, F), jnp.float32),
        mesh=mesh,
        scratch_types=[pltpu.VMEM((2, G, K), jnp.int32),
                       pltpu.VMEM((2, GK, F), jnp.float32),
                       pltpu.SemaphoreType.DMA((2,)),
                       pltpu.SemaphoreType.DMA((2,)),
                       pltpu.SemaphoreType.DMA((2,))],
        compiler_params=scp,
    )
    def _gather(nf_hbm, srcr_hbm, x_hbm, idxb, rowsb, isem, gsem, wsem):
        wid = lax.axis_index("s") * NC + lax.axis_index("c")

        def idx_copy(g, b):
            return pltpu.make_async_copy(srcr_hbm.at[pl.ds(g * G, G)],
                                         idxb.at[b], isem.at[b])

        def row_write(g, b):
            return pltpu.make_async_copy(rowsb.at[b],
                                         x_hbm.at[pl.ds(g * GK, GK)],
                                         wsem.at[b])

        def gather_drain(b):
            return pltpu.make_async_copy(nf_hbm.at[pl.ds(0, GK)],
                                         rowsb.at[b], gsem.at[b])

        @pl.when(wid < ng)
        def _():
            idx_copy(wid, 0).start()

        def body(q, carry):
            for b in (0, 1):
                gi = q * 2 + b
                g = wid + gi * NW

                @pl.when(g + NW < ng)
                def _():
                    idx_copy(g + NW, 1 - b).start()

                @pl.when((gi >= 2) & (g - 2 * NW < ng))
                def _():
                    row_write(g - 2 * NW, b).wait()

                @pl.when(g < ng)
                def _():
                    idx_copy(g, b).wait()
                    for j in range(G):
                        pltpu.async_copy(nf_hbm.at[idxb.at[b, j]],
                                         rowsb.at[b, pl.ds(j * K, K)],
                                         gsem.at[b])
                    gather_drain(b).wait()
                    row_write(g, b).start()
            return carry

        lax.fori_loop(0, pw_g // 2, body, 0)
        for t in (pw_g - 2, pw_g - 1):
            g = wid + t * NW

            @pl.when(g < ng)
            def _():
                row_write(g, t % 2).wait()

    x_src = _gather(node_feat, src_r)

    msg = _run_msg(edge_vec, x_src, W1, W2, W3)
    msg = _run_msg(edge_vec, x_src, W1, W2, W3)

    zinit = jnp.zeros((n_pad, HALF), jnp.float32)

    @functools.partial(
        pl.kernel,
        out_type=jax.ShapeDtypeStruct((NC, n_pad, HALF), jnp.float32),
        mesh=mesh,
        scratch_types=[pltpu.VMEM((2, GS, K), jnp.int32),
                       pltpu.VMEM((2, GKS, HALF), jnp.float32),
                       pltpu.VMEM_SHARED((n_pad, HALF), jnp.float32),
                       pltpu.SemaphoreType.DMA((2,)),
                       pltpu.SemaphoreType.DMA((2,)),
                       pltpu.SemaphoreType.DMA((2,))],
        compiler_params=scp,
    )
    def _scatter(dstr_hbm, msg_hbm, z_hbm, out_hbm, didxb, mb, acc_sh,
                 isem, msem, ssem):
        cid = lax.axis_index("c")
        sid = lax.axis_index("s")
        row0 = sid * rows_t
        pltpu.sync_copy(z_hbm.at[pl.ds(row0, rows_t)],
                        acc_sh.at[pl.ds(row0, rows_t)])
        plsc.subcore_barrier()

        def idx_copy(g, b):
            return pltpu.make_async_copy(dstr_hbm.at[pl.ds(g * GS, GS)],
                                         didxb.at[b], isem.at[b])

        def msg_copy(g, b):
            return pltpu.make_async_copy(
                msg_hbm.at[pl.ds(g * GKS, GKS), pl.ds(cid * HALF, HALF)],
                mb.at[b], msem.at[b])

        def scat_drain(b):
            return pltpu.make_async_copy(mb.at[b], acc_sh.at[pl.ds(0, GKS)],
                                         ssem.at[b])

        @pl.when(sid < ngs)
        def _():
            idx_copy(sid, 0).start()
            msg_copy(sid, 0).start()

        def body(q, carry):
            for b in (0, 1):
                gi = q * 2 + b
                g = sid + gi * NS

                @pl.when((gi >= 1) & (g - NS < ngs))
                def _():
                    scat_drain(1 - b).wait()

                @pl.when(g + NS < ngs)
                def _():
                    idx_copy(g + NS, 1 - b).start()
                    msg_copy(g + NS, 1 - b).start()

                @pl.when(g < ngs)
                def _():
                    idx_copy(g, b).wait()
                    msg_copy(g, b).wait()
                    for j in range(GS):
                        pltpu.async_copy(mb.at[b, pl.ds(j * K, K)],
                                         acc_sh.at[didxb.at[b, j]],
                                         ssem.at[b], add=True)
            return carry

        lax.fori_loop(0, pt_g // 2, body, 0)
        t = pt_g - 1
        g_last = sid + t * NS

        @pl.when(g_last < ngs)
        def _():
            scat_drain(t % 2).wait()
        plsc.subcore_barrier()
        pltpu.sync_copy(acc_sh.at[pl.ds(row0, rows_t)],
                        out_hbm.at[cid, pl.ds(row0, rows_t)])

    aggr2 = _scatter(dst_r, msg, zinit)

    wbig = _folded_linear(Wl0, Wl1)
    out = pl.pallas_call(
        _final_body,
        grid=(n_nodes // NB_NODE,),
        in_specs=[pl.BlockSpec((NC, NB_NODE, HALF), lambda i: (0, i, 0)),
                  pl.BlockSpec((F, F), lambda i: (0, 0)),
                  pl.BlockSpec((NB_NODE, F), lambda i: (i, 0))],
        out_specs=pl.BlockSpec((NB_NODE, F), lambda i: (i, 0)),
        out_shape=jax.ShapeDtypeStruct((n_nodes, F), jnp.float32),
    )(aggr2, wbig, node_feat)
    return out

# --- scband reference (transcript-rebuilt; emitter-appended) ---
"""Pipeline reference for scband-equivariant-message-passing-11020886081992 (READ-ONLY COPY).

The authoritative reference and input builder live on the scoring server;
editing this copy changes nothing except your own understanding.
"""

import jax, jax.numpy as jnp
import numpy as np

N_NODES = 50000
N_EDGES = 800000
MUL = 16
FC_DIMS = [1, 64, 64, 5 * MUL]
SQRT3 = 3.0 ** 0.5
SQRT5 = 5.0 ** 0.5


def _sh(vec):
    eps = 1e-12
    r = jnp.sqrt(jnp.sum(vec * vec, axis=-1, keepdims=True) + eps)
    n = vec / r
    x, y, z = n[..., 0], n[..., 1], n[..., 2]
    sh0 = jnp.ones_like(x)[..., None]
    sh1 = SQRT3 * n
    c1 = SQRT3 * x * y
    c2 = SQRT3 * y * z
    c3 = 0.5 * (3.0 * z * z - 1.0)
    c4 = SQRT3 * x * z
    c5 = 0.5 * SQRT3 * (x * x - y * y)
    sh2 = SQRT5 * jnp.stack([c1, c2, c3, c4, c5], axis=-1)
    return sh0, sh1, sh2


def _sh2_matrix(s):
    s1, s2, s3, s4, s5 = [s[..., i] for i in range(5)]
    a = s3 / SQRT3
    row0 = jnp.stack([-a + s5, s1, s4], axis=-1)
    row1 = jnp.stack([s1, -a - s5, s2], axis=-1)
    row2 = jnp.stack([s4, s2, 2.0 * a], axis=-1)
    return jnp.stack([row0, row1, row2], axis=-2)


def _fc(dist, W1, W2, W3):
    h = jax.nn.silu(dist @ W1 / jnp.sqrt(1.0 * W1.shape[0]))
    h = jax.nn.silu(h @ W2 / jnp.sqrt(1.0 * W2.shape[0]))
    return h @ W3 / jnp.sqrt(1.0 * W3.shape[0])


def _forward(node_feat, edge_vec, W1, W2, W3, Wl0, Wl1, src, dst):
    E = edge_vec.shape[0]
    sh0, sh1, sh2 = _sh(edge_vec)
    dist = jnp.sqrt(jnp.sum(edge_vec * edge_vec, axis=-1, keepdims=True) + 1e-12)
    w = _fc(dist, W1, W2, W3)
    w000, w011, w101, w110, w121 = jnp.split(w, 5, axis=-1)
    x_src = node_feat[src]
    s_src = x_src[:, :MUL]
    v_src = x_src[:, MUL:].reshape(E, MUL, 3)
    # uvu tensor product paths (node_irreps x SH -> node_irreps)
    # output 0e: paths (0e x 0e -> 0e) and (1o x 1o -> 0e)
    p000 = w000 * s_src
    p110 = w110 * jnp.einsum('euc,ec->eu', v_src, sh1) / SQRT3
    out0 = (p000 + p110) / jnp.sqrt(2.0)
    # output 1o: paths (0e x 1o -> 1o), (1o x 0e -> 1o), (1o x 2e -> 1o)
    p011 = (w011 * s_src)[..., None] * sh1[:, None, :]
    p101 = w101[..., None] * v_src
    T = _sh2_matrix(sh2)
    p121 = w121[..., None] * jnp.einsum('ecd,eud->euc', T, v_src) / SQRT5
    out1 = (p011 + p101 + p121) / jnp.sqrt(3.0)
    msg = jnp.concatenate([out0, out1.reshape(E, MUL * 3)], axis=-1)
    # scatter-add aggregation onto destination nodes
    aggr = jnp.zeros_like(node_feat).at[dst].add(msg)
    # irrep-wise linear
    a0 = aggr[:, :MUL] @ Wl0 / jnp.sqrt(1.0 * MUL)
    a1 = jnp.einsum('nuc,uv->nvc', aggr[:, MUL:].reshape(-1, MUL, 3), Wl1) / jnp.sqrt(1.0 * MUL)
    lin = jnp.concatenate([a0, a1.reshape(-1, MUL * 3)], axis=-1)
    return lin + node_feat


def setup_inputs(seed: int = 0):
    key = jax.random.key(seed)
    ks = jax.random.split(key, 9)
    node_feat = jax.random.normal(ks[0], (N_NODES, 4 * MUL), dtype=jnp.float32)
    edge_index = jax.random.randint(ks[1], (2, N_EDGES), 0, N_NODES, dtype=jnp.int32)
    edge_vec = jax.random.normal(ks[2], (N_EDGES, 3), dtype=jnp.float32)
    W1 = jax.random.normal(ks[3], (FC_DIMS[0], FC_DIMS[1]), dtype=jnp.float32)
    W2 = jax.random.normal(ks[4], (FC_DIMS[1], FC_DIMS[2]), dtype=jnp.float32)
    W3 = jax.random.normal(ks[5], (FC_DIMS[2], FC_DIMS[3]), dtype=jnp.float32)
    Wl0 = jax.random.normal(ks[6], (MUL, MUL), dtype=jnp.float32)
    Wl1 = jax.random.normal(ks[7], (MUL, MUL), dtype=jnp.float32)
    return {"node_feat": node_feat, "edge_index": edge_index, "edge_vec": edge_vec,
            "W1": W1, "W2": W2, "W3": W3, "Wl0": Wl0, "Wl1": Wl1}


def reference(node_feat, edge_index, edge_vec, W1, W2, W3, Wl0, Wl1):
    src, dst = edge_index[0], edge_index[1]
    return _forward(node_feat, edge_vec, W1, W2, W3, Wl0, Wl1, src, dst)

if __name__ == "__main__":
    import jax
    _d = setup_inputs()
    print(jax.jit(kernel)(*tuple(_d.values())))

</pallas_src>

<mosaic_0001>
#map = affine_map<(d0, d1) -> (0, 0)>
module attributes {stable_mosaic.version = 14 : i64} {
  func.func @_gather(%arg0: i32, %arg1: i32, %arg2: memref<50000x64xf32, #tpu.memory_space<hbm>>, %arg3: memref<6250x128xi32, #tpu.memory_space<hbm>>, %arg4: memref<800000x64xf32, #tpu.memory_space<hbm>>, %arg5: memref<2x5x128xi32, #tpu.memory_space<vmem>>, %arg6: memref<2x640x64xf32, #tpu.memory_space<vmem>>, %arg7: memref<2x!tpu.dma_semaphore, #tpu.memory_space<semaphore_mem>>, %arg8: memref<2x!tpu.dma_semaphore, #tpu.memory_space<semaphore_mem>>, %arg9: memref<2x!tpu.dma_semaphore, #tpu.memory_space<semaphore_mem>>) attributes {dimension_semantics = [#tpu.dimension_semantics<core_parallel>, #tpu.dimension_semantics<subcore_parallel>], iteration_bounds = array<i64: 2, 16>, scalar_prefetch = 0 : i64, scratch_operands = 5 : i64, tpu.core_type = #tpu.core_type<sc_vector_subcore>, window_params = [{transform_indices = #map}, {transform_indices = #map}, {transform_indices = #map}]} {
    %mul3A = arith.constant 2 : i32
    %mul3A_0 = arith.muli %arg1, %mul3A : i32
    %add3A = arith.addi %mul3A_0, %arg0 : i32
    %lt3A = arith.constant 1250 : i32
    %lt3A_1 = arith.cmpi slt, %add3A, %lt3A : i32
    %convert_element_type3A = arith.extui %lt3A_1 : i1 to i32
    %cond3A = arith.constant 0 : i32
    %cond3A_2 = arith.cmpi ne, %convert_element_type3A, %cond3A : i32
    scf.if %cond3A_2 {
      %mul3A_22 = arith.constant 5 : i32
      %mul3A_23 = arith.muli %add3A, %mul3A_22 : i32
      %dma_start3A = arith.constant 0 : i32
      %dma_start3A_24 = arith.constant 0 : i32
      %dma_start3A_25 = arith.constant 0 : i32
      %dma_start3A_26 = arith.constant 0 : i32
      %dma_start3A_27 = tpu.memref_slice %arg5[%dma_start3A, %dma_start3A_25, %dma_start3A_26] : memref<2x5x128xi32, #tpu.memory_space<vmem>> -> memref<1x5x128xi32, #tpu.memory_space<vmem>>
      %dma_start3A_28 = tpu.memref_squeeze %dma_start3A_27 : memref<1x5x128xi32, #tpu.memory_space<vmem>> -> memref<5x128xi32, #tpu.memory_space<vmem>>
      %dma_start3A_29 = arith.constant 0 : i32
      %dma_start3A_30 = tpu.memref_slice %arg3[%mul3A_23, %dma_start3A_29] : memref<6250x128xi32, #tpu.memory_space<hbm>> -> memref<5x128xi32, #tpu.memory_space<hbm>>
      %dma_start3A_31 = tpu.memref_slice %arg7[%dma_start3A_24] : memref<2x!tpu.dma_semaphore, #tpu.memory_space<semaphore_mem>> -> memref<1x!tpu.dma_semaphore, #tpu.memory_space<semaphore_mem>>
      %dma_start3A_32 = tpu.memref_squeeze %dma_start3A_31 : memref<1x!tpu.dma_semaphore, #tpu.memory_space<semaphore_mem>> -> memref<!tpu.dma_semaphore, #tpu.memory_space<semaphore_mem>>
      %dma_start3A_33 = arith.constant 0 : i32
      %dma_start3A_34 = arith.constant 0 : i32
      %dma_start3A_35 = tpu.memref_slice %arg5[%dma_start3A, %dma_start3A_33, %dma_start3A_34] : memref<2x5x128xi32, #tpu.memory_space<vmem>> -> memref<1x5x128xi32, #tpu.memory_space<vmem>>
      %dma_start3A_36 = tpu.memref_squeeze %dma_start3A_35 : memref<1x5x128xi32, #tpu.memory_space<vmem>> -> memref<5x128xi32, #tpu.memory_space<vmem>>
      %dma_start3A_37 = arith.constant 0 : i32
      %dma_start3A_38 = tpu.memref_slice %arg3[%mul3A_23, %dma_start3A_37] : memref<6250x128xi32, #tpu.memory_space<hbm>> -> memref<5x128xi32, #tpu.memory_space<hbm>>
      tpu.enqueue_dma source(%dma_start3A_38 : memref<5x128xi32, #tpu.memory_space<hbm>>) target(%dma_start3A_36 : memref<5x128xi32, #tpu.memory_space<vmem>>) target_semaphore(%dma_start3A_32 : memref<!tpu.dma_semaphore, #tpu.memory_space<semaphore_mem>>)
    } else {
    }
    %scan3A = arith.constant 0 : i32
    %scan3A_3 = arith.constant 0 : i32
    %scan3A_4 = arith.constant 20 : i32
    %scan3A_5 = arith.addi %scan3A_3, %scan3A_4 : i32
    %scan3A_6 = arith.constant 1 : i32
    scf.for %scan3A_22 = %scan3A_3 to %scan3A_5 step %scan3A_6  : i32 {
      %mul3A_23 = arith.constant 2 : i32
      %mul3A_24 = arith.muli %scan3A_22, %mul3A_23 : i32
      %add3A_25 = arith.constant 0 : i32
      %add3A_26 = arith.addi %mul3A_24, %add3A_25 : i32
      %mul3A_27 = arith.constant 32 : i32
      %mul3A_28 = arith.muli %add3A_26, %mul3A_27 : i32
      %add3A_29 = arith.addi %add3A, %mul3A_28 : i32
      %add3A_30 = arith.constant 32 : i32
      %add3A_31 = arith.addi %add3A_29, %add3A_30 : i32
      %lt3A_32 = arith.constant 1250 : i32
      %lt3A_33 = arith.cmpi slt, %add3A_31, %lt3A_32 : i32
      %convert_element_type3A_34 = arith.extui %lt3A_33 : i1 to i32
      %cond3A_35 = arith.constant 0 : i32
      %cond3A_36 = arith.cmpi ne, %convert_element_type3A_34, %cond3A_35 : i32
      scf.if %cond3A_36 {
        %add3A_78 = arith.constant 32 : i32
        %add3A_79 = arith.addi %add3A_29, %add3A_78 : i32
        %mul3A_80 = arith.constant 5 : i32
        %mul3A_81 = arith.muli %add3A_79, %mul3A_80 : i32
        %dma_start3A = arith.constant 1 : i32
        %dma_start3A_82 = arith.constant 1 : i32
        %dma_start3A_83 = arith.constant 0 : i32
        %dma_start3A_84 = arith.constant 0 : i32
        %dma_start3A_85 = tpu.memref_slice %arg5[%dma_start3A, %dma_start3A_83, %dma_start3A_84] : memref<2x5x128xi32, #tpu.memory_space<vmem>> -> memref<1x5x128xi32, #tpu.memory_space<vmem>>
        %dma_start3A_86 = tpu.memref_squeeze %dma_start3A_85 : memref<1x5x128xi32, #tpu.memory_space<vmem>> -> memref<5x128xi32, #tpu.memory_space<vmem>>
        %dma_start3A_87 = arith.constant 0 : i32
        %dma_start3A_88 = tpu.memref_slice %arg3[%mul3A_81, %dma_start3A_87] : memref<6250x128xi32, #tpu.memory_space<hbm>> -> memref<5x128xi32, #tpu.memory_space<hbm>>
        %dma_start3A_89 = tpu.memref_slice %arg7[%dma_start3A_82] : memref<2x!tpu.dma_semaphore, #tpu.memory_space<semaphore_mem>> -> memref<1x!tpu.dma_semaphore, #tpu.memory_space<semaphore_mem>>
        %dma_start3A_90 = tpu.memref_squeeze %dma_start3A_89 : memref<1x!tpu.dma_semaphore, #tpu.memory_space<semaphore_mem>> -> memref<!tpu.dma_semaphore, #tpu.memory_space<semaphore_mem>>
        %dma_start3A_91 = arith.constant 0 : i32
        %dma_start3A_92 = arith.constant 0 : i32
        %dma_start3A_93 = tpu.memref_slice %arg5[%dma_start3A, %dma_start3A_91, %dma_start3A_92] : memref<2x5x128xi32, #tpu.memory_space<vmem>> -> memref<1x5x128xi32, #tpu.memory_space<vmem>>
        %dma_start3A_94 = tpu.memref_squeeze %dma_start3A_93 : memref<1x5x128xi32, #tpu.memory_space<vmem>> -> memref<5x128xi32, #tpu.memory_space<vmem>>
        %dma_start3A_95 = arith.constant 0 : i32
        %dma_start3A_96 = tpu.memref_slice %arg3[%mul3A_81, %dma_start3A_95] : memref<6250x128xi32, #tpu.memory_space<hbm>> -> memref<5x128xi32, #tpu.memory_space<hbm>>
        tpu.enqueue_dma source(%dma_start3A_96 : memref<5x128xi32, #tpu.memory_space<hbm>>) target(%dma_start3A_94 : memref<5x128xi32, #tpu.memory_space<vmem>>) target_semaphore(%dma_start3A_90 : memref<!tpu.dma_semaphore, #tpu.memory_space<semaphore_mem>>)
      } else {
      }
      %ge3A = arith.constant 2 : i32
      %ge3A_37 = arith.cmpi sge, %add3A_26, %ge3A : i32
      %sub3A = arith.constant 64 : i32
      %sub3A_38 = arith.subi %add3A_29, %sub3A : i32
      %lt3A_39 = arith.constant 1250 : i32
      %lt3A_40 = arith.cmpi slt, %sub3A_38, %lt3A_39 : i32
      %and3A = arith.andi %ge3A_37, %lt3A_40 : i1
      %convert_element_type3A_41 = arith.extui %and3A : i1 to i32
      %cond3A_42 = arith.constant 0 : i32
      %cond3A_43 = arith.cmpi ne, %convert_element_type3A_41, %cond3A_42 : i32
      scf.if %cond3A_43 {
        %sub3A_78 = arith.constant 64 : i32
        %sub3A_79 = arith.subi %add3A_29, %sub3A_78 : i32
        %mul3A_80 = arith.constant 640 : i32
        %mul3A_81 = arith.muli %sub3A_79, %mul3A_80 : i32
        %dma_wait3A = arith.constant 0 : i32
        %dma_wait3A_82 = arith.constant 0 : i32
        %dma_wait3A_83 = arith.constant 0 : i32
        %dma_wait3A_84 = arith.constant 0 : i32
        %dma_wait3A_85 = tpu.memref_slice %arg6[%dma_wait3A, %dma_wait3A_83, %dma_wait3A_84] : memref<2x640x64xf32, #tpu.memory_space<vmem>> -> memref<1x640x64xf32, #tpu.memory_space<vmem>>
        %dma_wait3A_86 = tpu.memref_squeeze %dma_wait3A_85 : memref<1x640x64xf32, #tpu.memory_space<vmem>> -> memref<640x64xf32, #tpu.memory_space<vmem>>
        %dma_wait3A_87 = arith.constant 0 : i32
        %dma_wait3A_88 = tpu.memref_slice %arg4[%mul3A_81, %dma_wait3A_87] : memref<800000x64xf32, #tpu.memory_space<hbm>> -> memref<640x64xf32, #tpu.memory_space<hbm>>
        %dma_wait3A_89 = tpu.memref_slice %arg9[%dma_wait3A_82] : memref<2x!tpu.dma_semaphore, #tpu.memory_space<semaphore_mem>> -> memref<1x!tpu.dma_semaphore, #tpu.memory_space<semaphore_mem>>
        %dma_wait3A_90 = tpu.memref_squeeze %dma_wait3A_89 : memref<1x!tpu.dma_semaphore, #tpu.memory_space<semaphore_mem>> -> memref<!tpu.dma_semaphore, #tpu.memory_space<semaphore_mem>>
        %dma_wait3A_91 = arith.constant 0 : i32
        %dma_wait3A_92 = tpu.memref_slice %arg4[%mul3A_81, %dma_wait3A_91] : memref<800000x64xf32, #tpu.memory_space<hbm>> -> memref<640x64xf32, #tpu.memory_space<hbm>>
        %dma_wait3A_93 = arith.constant 0 : i32
        %dma_wait3A_94 = arith.constant 0 : i32
        %dma_wait3A_95 = tpu.memref_slice %arg6[%dma_wait3A, %dma_wait3A_93, %dma_wait3A_94] : memref<2x640x64xf32, #tpu.memory_space<vmem>> -> memref<1x640x64xf32, #tpu.memory_space<vmem>>
        %dma_wait3A_96 = tpu.memref_squeeze %dma_wait3A_95 : memref<1x640x64xf32, #tpu.memory_space<vmem>> -> memref<640x64xf32, #tpu.memory_space<vmem>>
        tpu.wait_dma2 semaphore(%dma_wait3A_90 : memref<!tpu.dma_semaphore, #tpu.memory_space<semaphore_mem>>) src(%dma_wait3A_96 : memref<640x64xf32, #tpu.memory_space<vmem>>) dst(%dma_wait3A_92 : memref<640x64xf32, #tpu.memory_space<hbm>>)
      } else {
      }
      %lt3A_44 = arith.constant 1250 : i32
      %lt3A_45 = arith.cmpi slt, %add3A_29, %lt3A_44 : i32
      %convert_element_type3A_46 = arith.extui %lt3A_45 : i1 to i32
      %cond3A_47 = arith.constant 0 : i32
      %cond3A_48 = arith.cmpi ne, %convert_element_type3A_46, %cond3A_47 : i32
      scf.if %cond3A_48 {
        %mul3A_78 = arith.constant 5 : i32
        %mul3A_79 = arith.muli %add3A_29, %mul3A_78 : i32
        %dma_wait3A = arith.constant 0 : i32
        %dma_wait3A_80 = arith.constant 0 : i32
        %dma_wait3A_81 = arith.constant 0 : i32
        %dma_wait3A_82 = arith.constant 0 : i32
        %dma_wait3A_83 = tpu.memref_slice %arg5[%dma_wait3A, %dma_wait3A_81, %dma_wait3A_82] : memref<2x5x128xi32, #tpu.memory_space<vmem>> -> memref<1x5x128xi32, #tpu.memory_space<vmem>>
        %dma_wait3A_84 = tpu.memref_squeeze %dma_wait3A_83 : memref<1x5x128xi32, #tpu.memory_space<vmem>> -> memref<5x128xi32, #tpu.memory_space<vmem>>
        %dma_wait3A_85 = arith.constant 0 : i32
        %dma_wait3A_86 = tpu.memref_slice %arg3[%mul3A_79, %dma_wait3A_85] : memref<6250x128xi32, #tpu.memory_space<hbm>> -> memref<5x128xi32, #tpu.memory_space<hbm>>
        %dma_wait3A_87 = tpu.memref_slice %arg7[%dma_wait3A_80] : memref<2x!tpu.dma_semaphore, #tpu.memory_space<semaphore_mem>> -> memref<1x!tpu.dma_semaphore, #tpu.memory_space<semaphore_mem>>
        %dma_wait3A_88 = tpu.memref_squeeze %dma_wait3A_87 : memref<1x!tpu.dma_semaphore, #tpu.memory_space<semaphore_mem>> -> memref<!tpu.dma_semaphore, #tpu.memory_space<semaphore_mem>>
        %dma_wait3A_89 = arith.constant 0 : i32
        %dma_wait3A_90 = arith.constant 0 : i32
        %dma_wait3A_91 = tpu.memref_slice %arg5[%dma_wait3A, %dma_wait3A_89, %dma_wait3A_90] : memref<2x5x128xi32, #tpu.memory_space<vmem>> -> memref<1x5x128xi32, #tpu.memory_space<vmem>>
        %dma_wait3A_92 = tpu.memref_squeeze %dma_wait3A_91 : memref<1x5x128xi32, #tpu.memory_space<vmem>> -> memref<5x128xi32, #tpu.memory_space<vmem>>
        %dma_wait3A_93 = arith.constant 0 : i32
        %dma_wait3A_94 = tpu.memref_slice %arg3[%mul3A_79, %dma_wait3A_93] : memref<6250x128xi32, #tpu.memory_space<hbm>> -> memref<5x128xi32, #tpu.memory_space<hbm>>
        tpu.wait_dma2 semaphore(%dma_wait3A_88 : memref<!tpu.dma_semaphore, #tpu.memory_space<semaphore_mem>>) src(%dma_wait3A_94 : memref<5x128xi32, #tpu.memory_space<hbm>>) dst(%dma_wait3A_92 : memref<5x128xi32, #tpu.memory_space<vmem>>)
        %dma_start3A = arith.constant 0 : i32
        %dma_start3A_95 = arith.constant 0 : i32
        %dma_start3A_96 = arith.constant 0 : i32
        %dma_start3A_97 = arith.constant 0 : i32
        %dma_start3A_98 = arith.constant 0 : i32
        %dma_start3A_99 = arith.constant 0 : i32
        %dma_start3A_100 = tpu.memref_slice %arg6[%dma_start3A_96, %dma_start3A_98, %dma_start3A_99] : memref<2x640x64xf32, #tpu.memory_space<vmem>> -> memref<1x128x64xf32, #tpu.memory_space<vmem>>
        %dma_start3A_101 = tpu.memref_squeeze %dma_start3A_100 : memref<1x128x64xf32, #tpu.memory_space<vmem>> -> memref<128x64xf32, #tpu.memory_space<vmem>>
        %dma_start3A_102 = arith.constant 0 : i32
        %dma_start3A_103 = tpu.memref_slice %arg5[%dma_start3A, %dma_start3A_95, %dma_start3A_102] : memref<2x5x128xi32, #tpu.memory_space<vmem>> -> memref<1x1x128xi32, #tpu.memory_space<vmem>>
        %dma_start3A_104 = tpu.memref_squeeze %dma_start3A_103 : memref<1x1x128xi32, #tpu.memory_space<vmem>> -> memref<128xi32, #tpu.memory_space<vmem>>
        %dma_start3A_105 = arith.constant 0 : i32
        %dma_start3A_106 = arith.constant 0 : i32
        %dma_start3A_107 = tpu.memref_slice %arg2[%dma_start3A_105, %dma_start3A_106] : memref<50000x64xf32, #tpu.memory_space<hbm>> -> memref<50000x64xf32, #tpu.memory_space<hbm>>
        %dma_start3A_108 = tpu.memref_slice %arg8[%dma_start3A_97] : memref<2x!tpu.dma_semaphore, #tpu.memory_space<semaphore_mem>> -> memref<1x!tpu.dma_semaphore, #tpu.memory_space<semaphore_mem>>
        %dma_start3A_109 = tpu.memref_squeeze %dma_start3A_108 : memref<1x!tpu.dma_semaphore, #tpu.memory_space<semaphore_mem>> -> memref<!tpu.dma_semaphore, #tpu.memory_space<semaphore_mem>>
        tpu.enqueue_indirect_dma source(%dma_start3A_107 : memref<50000x64xf32, #tpu.memory_space<hbm>>) target(%dma_start3A_101 : memref<128x64xf32, #tpu.memory_space<vmem>>) offsets(%dma_start3A_104 : memref<128xi32, #tpu.memory_space<vmem>>) semaphore(%dma_start3A_109 : memref<!tpu.dma_semaphore, #tpu.memory_space<semaphore_mem>>)
        %dma_start3A_110 = arith.constant 0 : i32
        %dma_start3A_111 = arith.constant 1 : i32
        %dma_start3A_112 = arith.constant 0 : i32
        %dma_start3A_113 = arith.constant 0 : i32
        %dma_start3A_114 = arith.constant 128 : i32
        %dma_start3A_115 = arith.constant 0 : i32
        %dma_start3A_116 = tpu.memref_slice %arg6[%dma_start3A_112, %dma_start3A_114, %dma_start3A_115] : memref<2x640x64xf32, #tpu.memory_space<vmem>> -> memref<1x128x64xf32, #tpu.memory_space<vmem>>
        %dma_start3A_117 = tpu.memref_squeeze %dma_start3A_116 : memref<1x128x64xf32, #tpu.memory_space<vmem>> -> memref<128x64xf32, #tpu.memory_space<vmem>>
        %dma_start3A_118 = arith.constant 0 : i32
        %dma_start3A_119 = tpu.memref_slice %arg5[%dma_start3A_110, %dma_start3A_111, %dma_start3A_118] : memref<2x5x128xi32, #tpu.memory_space<vmem>> -> memref<1x1x128xi32, #tpu.memory_space<vmem>>
        %dma_start3A_120 = tpu.memref_squeeze %dma_start3A_119 : memref<1x1x128xi32, #tpu.memory_space<vmem>> -> memref<128xi32, #tpu.memory_space<vmem>>
        %dma_start3A_121 = arith.constant 0 : i32
        %dma_start3A_122 = arith.constant 0 : i32
        %dma_start3A_123 = tpu.memref_slice %arg2[%dma_start3A_121, %dma_start3A_122] : memref<50000x64xf32, #tpu.memory_space<hbm>> -> memref<50000x64xf32, #tpu.memory_space<hbm>>
        %dma_start3A_124 = tpu.memref_slice %arg8[%dma_start3A_113] : memref<2x!tpu.dma_semaphore, #tpu.memory_space<semaphore_mem>> -> memref<1x!tpu.dma_semaphore, #tpu.memory_space<semaphore_mem>>
        %dma_start3A_125 = tpu.memref_squeeze %dma_start3A_124 : memref<1x!tpu.dma_semaphore, #tpu.memory_space<semaphore_mem>> -> memref<!tpu.dma_semaphore, #tpu.memory_space<semaphore_mem>>
        tpu.enqueue_indirect_dma source(%dma_start3A_123 : memref<50000x64xf32, #tpu.memory_space<hbm>>) target(%dma_start3A_117 : memref<128x64xf32, #tpu.memory_space<vmem>>) offsets(%dma_start3A_120 : memref<128xi32, #tpu.memory_space<vmem>>) semaphore(%dma_start3A_125 : memref<!tpu.dma_semaphore, #tpu.memory_space<semaphore_mem>>)
        %dma_start3A_126 = arith.constant 0 : i32
        %dma_start3A_127 = arith.constant 2 : i32
        %dma_start3A_128 = arith.constant 0 : i32
        %dma_start3A_129 = arith.constant 0 : i32
        %dma_start3A_130 = arith.constant 256 : i32
        %dma_start3A_131 = arith.constant 0 : i32
        %dma_start3A_132 = tpu.memref_slice %arg6[%dma_start3A_128, %dma_start3A_130, %dma_start3A_131] : memref<2x640x64xf32, #tpu.memory_space<vmem>> -> memref<1x128x64xf32, #tpu.memory_space<vmem>>
        %dma_start3A_133 = tpu.memref_squeeze %dma_start3A_132 : memref<1x128x64xf32, #tpu.memory_space<vmem>> -> memref<128x64xf32, #tpu.memory_space<vmem>>
        %dma_start3A_134 = arith.constant 0 : i32
        %dma_start3A_135 = tpu.memref_slice %arg5[%dma_start3A_126, %dma_start3A_127, %dma_start3A_134] : memref<2x5x128xi32, #tpu.memory_space<vmem>> -> memref<1x1x128xi32, #tpu.memory_space<vmem>>
        %dma_start3A_136 = tpu.memref_squeeze %dma_start3A_135 : memref<1x1x128xi32, #tpu.memory_space<vmem>> -> memref<128xi32, #tpu.memory_space<vmem>>
        %dma_start3A_137 = arith.constant 0 : i32
        %dma_start3A_138 = arith.constant 0 : i32
        %dma_start3A_139 = tpu.memref_slice %arg2[%dma_start3A_137, %dma_start3A_138] : memref<50000x64xf32, #tpu.memory_space<hbm>> -> memref<50000x64xf32, #tpu.memory_space<hbm>>
        %dma_start3A_140 = tpu.memref_slice %arg8[%dma_start3A_129] : memref<2x!tpu.dma_semaphore, #tpu.memory_space<semaphore_mem>> -> memref<1x!tpu.dma_semaphore, #tpu.memory_space<semaphore_mem>>
        %dma_start3A_141 = tpu.memref_squeeze %dma_start3A_140 : memref<1x!tpu.dma_semaphore, #tpu.memory_space<semaphore_mem>> -> memref<!tpu.dma_semaphore, #tpu.memory_space<semaphore_mem>>
        tpu.enqueue_indirect_dma source(%dma_start3A_139 : memref<50000x64xf32, #tpu.memory_space<hbm>>) target(%dma_start3A_133 : memref<128x64xf32, #tpu.memory_space<vmem>>) offsets(%dma_start3A_136 : memref<128xi32, #tpu.memory_space<vmem>>) semaphore(%dma_start3A_141 : memref<!tpu.dma_semaphore, #tpu.memory_space<semaphore_mem>>)
        %dma_start3A_142 = arith.constant 0 : i32
        %dma_start3A_143 = arith.constant 3 : i32
        %dma_start3A_144 = arith.constant 0 : i32
        %dma_start3A_145 = arith.constant 0 : i32
        %dma_start3A_146 = arith.constant 384 : i32
        %dma_start3A_147 = arith.constant 0 : i32
        %dma_start3A_148 = tpu.memref_slice %arg6[%dma_start3A_144, %dma_start3A_146, %dma_start3A_147] : memref<2x640x64xf32, #tpu.memory_space<vmem>> -> memref<1x128x64xf32, #tpu.memory_space<vmem>>
        %dma_start3A_149 = tpu.memref_squeeze %dma_start3A_148 : memref<1x128x64xf32, #tpu.memory_space<vmem>> -> memref<128x64xf32, #tpu.memory_space<vmem>>
        %dma_start3A_150 = arith.constant 0 : i32
        %dma_start3A_151 = tpu.memref_slice %arg5[%dma_start3A_142, %dma_start3A_143, %dma_start3A_150] : memref<2x5x128xi32, #tpu.memory_space<vmem>> -> memref<1x1x128xi32, #tpu.memory_space<vmem>>
        %dma_start3A_152 = tpu.memref_squeeze %dma_start3A_151 : memref<1x1x128xi32, #tpu.memory_space<vmem>> -> memref<128xi32, #tpu.memory_space<vmem>>
        %dma_start3A_153 = arith.constant 0 : i32
        %dma_start3A_154 = arith.constant 0 : i32
        %dma_start3A_155 = tpu.memref_slice %arg2[%dma_start3A_153, %dma_start3A_154] : memref<50000x64xf32, #tpu.memory_space<hbm>> -> memref<50000x64xf32, #tpu.memory_space<hbm>>
        %dma_start3A_156 = tpu.memref_slice %arg8[%dma_start3A_145] : memref<2x!tpu.dma_semaphore, #tpu.memory_space<semaphore_mem>> -> memref<1x!tpu.dma_semaphore, #tpu.memory_space<semaphore_mem>>
        %dma_start3A_157 = tpu.memref_squeeze %dma_start3A_156 : memref<1x!tpu.dma_semaphore, #tpu.memory_space<semaphore_mem>> -> memref<!tpu.dma_semaphore, #tpu.memory_space<semaphore_mem>>
        tpu.enqueue_indirect_dma source(%dma_start3A_155 : memref<50000x64xf32, #tpu.memory_space<hbm>>) target(%dma_start3A_149 : memref<128x64xf32, #tpu.memory_space<vmem>>) offsets(%dma_start3A_152 : memref<128xi32, #tpu.memory_space<vmem>>) semaphore(%dma_start3A_157 : memref<!tpu.dma_semaphore, #tpu.memory_space<semaphore_mem>>)
        %dma_start3A_158 = arith.constant 0 : i32
        %dma_start3A_159 = arith.constant 4 : i32
        %dma_start3A_160 = arith.constant 0 : i32
        %dma_start3A_161 = arith.constant 0 : i32
        %dma_start3A_162 = arith.constant 512 : i32
        %dma_start3A_163 = arith.constant 0 : i32
        %dma_start3A_164 = tpu.memref_slice %arg6[%dma_start3A_160, %dma_start3A_162, %dma_start3A_163] : memref<2x640x64xf32, #tpu.memory_space<vmem>> -> memref<1x128x64xf32, #tpu.memory_space<vmem>>
        %dma_start3A_165 = tpu.memref_squeeze %dma_start3A_164 : memref<1x128x64xf32, #tpu.memory_space<vmem>> -> memref<128x64xf32, #tpu.memory_space<vmem>>
        %dma_start3A_166 = arith.constant 0 : i32
        %dma_start3A_167 = tpu.memref_slice %arg5[%dma_start3A_158, %dma_start3A_159, %dma_start3A_166] : memref<2x5x128xi32, #tpu.memory_space<vmem>> -> memref<1x1x128xi32, #tpu.memory_space<vmem>>
        %dma_start3A_168 = tpu.memref_squeeze %dma_start3A_167 : memref<1x1x128xi32, #tpu.memory_space<vmem>> -> memref<128xi32, #tpu.memory_space<vmem>>
        %dma_start3A_169 = arith.constant 0 : i32
        %dma_start3A_170 = arith.constant 0 : i32
        %dma_start3A_171 = tpu.memref_slice %arg2[%dma_start3A_169, %dma_start3A_170] : memref<50000x64xf32, #tpu.memory_space<hbm>> -> memref<50000x64xf32, #tpu.memory_space<hbm>>
        %dma_start3A_172 = tpu.memref_slice %arg8[%dma_start3A_161] : memref<2x!tpu.dma_semaphore, #tpu.memory_space<semaphore_mem>> -> memref<1x!tpu.dma_semaphore, #tpu.memory_space<semaphore_mem>>
        %dma_start3A_173 = tpu.memref_squeeze %dma_start3A_172 : memref<1x!tpu.dma_semaphore, #tpu.memory_space<semaphore_mem>> -> memref<!tpu.dma_semaphore, #tpu.memory_space<semaphore_mem>>
        tpu.enqueue_indirect_dma source(%dma_start3A_171 : memref<50000x64xf32, #tpu.memory_space<hbm>>) target(%dma_start3A_165 : memref<128x64xf32, #tpu.memory_space<vmem>>) offsets(%dma_start3A_168 : memref<128xi32, #tpu.memory_space<vmem>>) semaphore(%dma_start3A_173 : memref<!tpu.dma_semaphore, #tpu.memory_space<semaphore_mem>>)
        %dma_wait3A_174 = arith.constant 0 : i32
        %dma_wait3A_175 = arith.constant 0 : i32
        %dma_wait3A_176 = arith.constant 0 : i32
        %dma_wait3A_177 = arith.constant 0 : i32
        %dma_wait3A_178 = tpu.memref_slice %arg6[%dma_wait3A_174, %dma_wait3A_176, %dma_wait3A_177] : memref<2x640x64xf32, #tpu.memory_space<vmem>> -> memref<1x640x64xf32, #tpu.memory_space<vmem>>
        %dma_wait3A_179 = tpu.memref_squeeze %dma_wait3A_178 : memref<1x640x64xf32, #tpu.memory_space<vmem>> -> memref<640x64xf32, #tpu.memory_space<vmem>>
        %dma_wait3A_180 = arith.constant 0 : i32
        %dma_wait3A_181 = arith.constant 0 : i32
        %dma_wait3A_182 = tpu.memref_slice %arg2[%dma_wait3A_180, %dma_wait3A_181] : memref<50000x64xf32, #tpu.memory_space<hbm>> -> memref<640x64xf32, #tpu.memory_space<hbm>>
        %dma_wait3A_183 = tpu.memref_slice %arg8[%dma_wait3A_175] : memref<2x!tpu.dma_semaphore, #tpu.memory_space<semaphore_mem>> -> memref<1x!tpu.dma_semaphore, #tpu.memory_space<semaphore_mem>>
        %dma_wait3A_184 = tpu.memref_squeeze %dma_wait3A_183 : memref<1x!tpu.dma_semaphore, #tpu.memory_space<semaphore_mem>> -> memref<!tpu.dma_semaphore, #tpu.memory_space<semaphore_mem>>
        %dma_wait3A_185 = arith.constant 0 : i32
        %dma_wait3A_186 = arith.constant 0 : i32
        %dma_wait3A_187 = tpu.memref_slice %arg6[%dma_wait3A_174, %dma_wait3A_185, %dma_wait3A_186] : memref<2x640x64xf32, #tpu.memory_space<vmem>> -> memref<1x640x64xf32, #tpu.memory_space<vmem>>
        %dma_wait3A_188 = tpu.memref_squeeze %dma_wait3A_187 : memref<1x640x64xf32, #tpu.memory_space<vmem>> -> memref<640x64xf32, #tpu.memory_space<vmem>>
        %dma_wait3A_189 = arith.constant 0 : i32
        %dma_wait3A_190 = arith.constant 0 : i32
        %dma_wait3A_191 = tpu.memref_slice %arg2[%dma_wait3A_189, %dma_wait3A_190] : memref<50000x64xf32, #tpu.memory_space<hbm>> -> memref<640x64xf32, #tpu.memory_space<hbm>>
        tpu.wait_dma2 semaphore(%dma_wait3A_184 : memref<!tpu.dma_semaphore, #tpu.memory_space<semaphore_mem>>) src(%dma_wait3A_191 : memref<640x64xf32, #tpu.memory_space<hbm>>) dst(%dma_wait3A_188 : memref<640x64xf32, #tpu.memory_space<vmem>>)
        %mul3A_192 = arith.constant 640 : i32
        %mul3A_193 = arith.muli %add3A_29, %mul3A_192 : i32
        %dma_start3A_194 = arith.constant 0 : i32
        %dma_start3A_195 = arith.constant 0 : i32
        %dma_start3A_196 = arith.constant 0 : i32
        %dma_start3A_197 = arith.constant 0 : i32
        %dma_start3A_198 = tpu.memref_slice %arg6[%dma_start3A_194, %dma_start3A_196, %dma_start3A_197] : memref<2x640x64xf32, #tpu.memory_space<vmem>> -> memref<1x640x64xf32, #tpu.memory_space<vmem>>
        %dma_start3A_199 = tpu.memref_squeeze %dma_start3A_198 : memref<1x640x64xf32, #tpu.memory_space<vmem>> -> memref<640x64xf32, #tpu.memory_space<vmem>>
        %dma_start3A_200 = arith.constant 0 : i32
        %dma_start3A_201 = tpu.memref_slice %arg4[%mul3A_193, %dma_start3A_200] : memref<800000x64xf32, #tpu.memory_space<hbm>> -> memref<640x64xf32, #tpu.memory_space<hbm>>
        %dma_start3A_202 = tpu.memref_slice %arg9[%dma_start3A_195] : memref<2x!tpu.dma_semaphore, #tpu.memory_space<semaphore_mem>> -> memref<1x!tpu.dma_semaphore, #tpu.memory_space<semaphore_mem>>
        %dma_start3A_203 = tpu.memref_squeeze %dma_start3A_202 : memref<1x!tpu.dma_semaphore, #tpu.memory_space<semaphore_mem>> -> memref<!tpu.dma_semaphore, #tpu.memory_space<semaphore_mem>>
        %dma_start3A_204 = arith.constant 0 : i32
        %dma_start3A_205 = tpu.memref_slice %arg4[%mul3A_193, %dma_start3A_204] : memref<800000x64xf32, #tpu.memory_space<hbm>> -> memref<640x64xf32, #tpu.memory_space<hbm>>
        %dma_start3A_206 = arith.constant 0 : i32
        %dma_start3A_207 = arith.constant 0 : i32
        %dma_start3A_208 = tpu.memref_slice %arg6[%dma_start3A_194, %dma_start3A_206, %dma_start3A_207] : memref<2x640x64xf32, #tpu.memory_space<vmem>> -> memref<1x640x64xf32, #tpu.memory_space<vmem>>
        %dma_start3A_209 = tpu.memref_squeeze %dma_start3A_208 : memref<1x640x64xf32, #tpu.memory_space<vmem>> -> memref<640x64xf32, #tpu.memory_space<vmem>>
        tpu.enqueue_dma source(%dma_start3A_209 : memref<640x64xf32, #tpu.memory_space<vmem>>) target(%dma_start3A_205 : memref<640x64xf32, #tpu.memory_space<hbm>>) target_semaphore(%dma_start3A_203 : memref<!tpu.dma_semaphore, #tpu.memory_space<semaphore_mem>>)
      } else {
      }
      %mul3A_49 = arith.constant 2 : i32
      %mul3A_50 = arith.muli %scan3A_22, %mul3A_49 : i32
      %add3A_51 = arith.constant 1 : i32
      %add3A_52 = arith.addi %mul3A_50, %add3A_51 : i32
      %mul3A_53 = arith.constant 32 : i32
      %mul3A_54 = arith.muli %add3A_52, %mul3A_53 : i32
      %add3A_55 = arith.addi %add3A, %mul3A_54 : i32
      %add3A_56 = arith.constant 32 : i32
      %add3A_57 = arith.addi %add3A_55, %add3A_56 : i32
      %lt3A_58 = arith.constant 1250 : i32
      %lt3A_59 = arith.cmpi slt, %add3A_57, %lt3A_58 : i32
      %convert_element_type3A_60 = arith.extui %lt3A_59 : i1 to i32
      %cond3A_61 = arith.constant 0 : i32
      %cond3A_62 = arith.cmpi ne, %convert_element_type3A_60, %cond3A_61 : i32
      scf.if %cond3A_62 {
        %add3A_78 = arith.constant 32 : i32
        %add3A_79 = arith.addi %add3A_55, %add3A_78 : i32
        %mul3A_80 = arith.constant 5 : i32
        %mul3A_81 = arith.muli %add3A_79, %mul3A_80 : i32
        %dma_start3A = arith.constant 0 : i32
        %dma_start3A_82 = arith.constant 0 : i32
        %dma_start3A_83 = arith.constant 0 : i32
        %dma_start3A_84 = arith.constant 0 : i32
        %dma_start3A_85 = tpu.memref_slice %arg5[%dma_start3A, %dma_start3A_83, %dma_start3A_84] : memref<2x5x128xi32, #tpu.memory_space<vmem>> -> memref<1x5x128xi32, #tpu.memory_space<vmem>>
        %dma_start3A_86 = tpu.memref_squeeze %dma_start3A_85 : memref<1x5x128xi32, #tpu.memory_space<vmem>> -> memref<5x128xi32, #tpu.memory_space<vmem>>
        %dma_start3A_87 = arith.constant 0 : i32
        %dma_start3A_88 = tpu.memref_slice %arg3[%mul3A_81, %dma_start3A_87] : memref<6250x128xi32, #tpu.memory_space<hbm>> -> memref<5x128xi32, #tpu.memory_space<hbm>>
        %dma_start3A_89 = tpu.memref_slice %arg7[%dma_start3A_82] : memref<2x!tpu.dma_semaphore, #tpu.memory_space<semaphore_mem>> -> memref<1x!tpu.dma_semaphore, #tpu.memory_space<semaphore_mem>>
        %dma_start3A_90 = tpu.memref_squeeze %dma_start3A_89 : memref<1x!tpu.dma_semaphore, #tpu.memory_space<semaphore_mem>> -> memref<!tpu.dma_semaphore, #tpu.memory_space<semaphore_mem>>
        %dma_start3A_91 = arith.constant 0 : i32
        %dma_start3A_92 = arith.constant 0 : i32
        %dma_start3A_93 = tpu.memref_slice %arg5[%dma_start3A, %dma_start3A_91, %dma_start3A_92] : memref<2x5x128xi32, #tpu.memory_space<vmem>> -> memref<1x5x128xi32, #tpu.memory_space<vmem>>
        %dma_start3A_94 = tpu.memref_squeeze %dma_start3A_93 : memref<1x5x128xi32, #tpu.memory_space<vmem>> -> memref<5x128xi32, #tpu.memory_space<vmem>>
        %dma_start3A_95 = arith.constant 0 : i32
        %dma_start3A_96 = tpu.memref_slice %arg3[%mul3A_81, %dma_start3A_95] : memref<6250x128xi32, #tpu.memory_space<hbm>> -> memref<5x128xi32, #tpu.memory_space<hbm>>
        tpu.enqueue_dma source(%dma_start3A_96 : memref<5x128xi32, #tpu.memory_space<hbm>>) target(%dma_start3A_94 : memref<5x128xi32, #tpu.memory_space<vmem>>) target_semaphore(%dma_start3A_90 : memref<!tpu.dma_semaphore, #tpu.memory_space<semaphore_mem>>)
      } else {
      }
      %ge3A_63 = arith.constant 2 : i32
      %ge3A_64 = arith.cmpi sge, %add3A_52, %ge3A_63 : i32
      %sub3A_65 = arith.constant 64 : i32
      %sub3A_66 = arith.subi %add3A_55, %sub3A_65 : i32
      %lt3A_67 = arith.constant 1250 : i32
      %lt3A_68 = arith.cmpi slt, %sub3A_66, %lt3A_67 : i32
      %and3A_69 = arith.andi %ge3A_64, %lt3A_68 : i1
      %convert_element_type3A_70 = arith.extui %and3A_69 : i1 to i32
      %cond3A_71 = arith.constant 0 : i32
      %cond3A_72 = arith.cmpi ne, %convert_element_type3A_70, %cond3A_71 : i32
      scf.if %cond3A_72 {
        %sub3A_78 = arith.constant 64 : i32
        %sub3A_79 = arith.subi %add3A_55, %sub3A_78 : i32
        %mul3A_80 = arith.constant 640 : i32
        %mul3A_81 = arith.muli %sub3A_79, %mul3A_80 : i32
        %dma_wait3A = arith.constant 1 : i32
        %dma_wait3A_82 = arith.constant 1 : i32
        %dma_wait3A_83 = arith.constant 0 : i32
        %dma_wait3A_84 = arith.constant 0 : i32
        %dma_wait3A_85 = tpu.memref_slice %arg6[%dma_wait3A, %dma_wait3A_83, %dma_wait3A_84] : memref<2x640x64xf32, #tpu.memory_space<vmem>> -> memref<1x640x64xf32, #tpu.memory_space<vmem>>
        %dma_wait3A_86 = tpu.memref_squeeze %dma_wait3A_85 : memref<1x640x64xf32, #tpu.memory_space<vmem>> -> memref<640x64xf32, #tpu.memory_space<vmem>>
        %dma_wait3A_87 = arith.constant 0 : i32
        %dma_wait3A_88 = tpu.memref_slice %arg4[%mul3A_81, %dma_wait3A_87] : memref<800000x64xf32, #tpu.memory_space<hbm>> -> memref<640x64xf32, #tpu.memory_space<hbm>>
        %dma_wait3A_89 = tpu.memref_slice %arg9[%dma_wait3A_82] : memref<2x!tpu.dma_semaphore, #tpu.memory_space<semaphore_mem>> -> memref<1x!tpu.dma_semaphore, #tpu.memory_space<semaphore_mem>>
        %dma_wait3A_90 = tpu.memref_squeeze %dma_wait3A_89 : memref<1x!tpu.dma_semaphore, #tpu.memory_space<semaphore_mem>> -> memref<!tpu.dma_semaphore, #tpu.memory_space<semaphore_mem>>
        %dma_wait3A_91 = arith.constant 0 : i32
        %dma_wait3A_92 = tpu.memref_slice %arg4[%mul3A_81, %dma_wait3A_91] : memref<800000x64xf32, #tpu.memory_space<hbm>> -> memref<640x64xf32, #tpu.memory_space<hbm>>
        %dma_wait3A_93 = arith.constant 0 : i32
        %dma_wait3A_94 = arith.constant 0 : i32
        %dma_wait3A_95 = tpu.memref_slice %arg6[%dma_wait3A, %dma_wait3A_93, %dma_wait3A_94] : memref<2x640x64xf32, #tpu.memory_space<vmem>> -> memref<1x640x64xf32, #tpu.memory_space<vmem>>
        %dma_wait3A_96 = tpu.memref_squeeze %dma_wait3A_95 : memref<1x640x64xf32, #tpu.memory_space<vmem>> -> memref<640x64xf32, #tpu.memory_space<vmem>>
        tpu.wait_dma2 semaphore(%dma_wait3A_90 : memref<!tpu.dma_semaphore, #tpu.memory_space<semaphore_mem>>) src(%dma_wait3A_96 : memref<640x64xf32, #tpu.memory_space<vmem>>) dst(%dma_wait3A_92 : memref<640x64xf32, #tpu.memory_space<hbm>>)
      } else {
      }
      %lt3A_73 = arith.constant 1250 : i32
      %lt3A_74 = arith.cmpi slt, %add3A_55, %lt3A_73 : i32
      %convert_element_type3A_75 = arith.extui %lt3A_74 : i1 to i32
      %cond3A_76 = arith.constant 0 : i32
      %cond3A_77 = arith.cmpi ne, %convert_element_type3A_75, %cond3A_76 : i32
      scf.if %cond3A_77 {
        %mul3A_78 = arith.constant 5 : i32
        %mul3A_79 = arith.muli %add3A_55, %mul3A_78 : i32
        %dma_wait3A = arith.constant 1 : i32
        %dma_wait3A_80 = arith.constant 1 : i32
        %dma_wait3A_81 = arith.constant 0 : i32
        %dma_wait3A_82 = arith.constant 0 : i32
        %dma_wait3A_83 = tpu.memref_slice %arg5[%dma_wait3A, %dma_wait3A_81, %dma_wait3A_82] : memref<2x5x128xi32, #tpu.memory_space<vmem>> -> memref<1x5x128xi32, #tpu.memory_space<vmem>>
        %dma_wait3A_84 = tpu.memref_squeeze %dma_wait3A_83 : memref<1x5x128xi32, #tpu.memory_space<vmem>> -> memref<5x128xi32, #tpu.memory_space<vmem>>
        %dma_wait3A_85 = arith.constant 0 : i32
        %dma_wait3A_86 = tpu.memref_slice %arg3[%mul3A_79, %dma_wait3A_85] : memref<6250x128xi32, #tpu.memory_space<hbm>> -> memref<5x128xi32, #tpu.memory_space<hbm>>
        %dma_wait3A_87 = tpu.memref_slice %arg7[%dma_wait3A_80] : memref<2x!tpu.dma_semaphore, #tpu.memory_space<semaphore_mem>> -> memref<1x!tpu.dma_semaphore, #tpu.memory_space<semaphore_mem>>
        %dma_wait3A_88 = tpu.memref_squeeze %dma_wait3A_87 : memref<1x!tpu.dma_semaphore, #tpu.memory_space<semaphore_mem>> -> memref<!tpu.dma_semaphore, #tpu.memory_space<semaphore_mem>>
        %dma_wait3A_89 = arith.constant 0 : i32
        %dma_wait3A_90 = arith.constant 0 : i32
        %dma_wait3A_91 = tpu.memref_slice %arg5[%dma_wait3A, %dma_wait3A_89, %dma_wait3A_90] : memref<2x5x128xi32, #tpu.memory_space<vmem>> -> memref<1x5x128xi32, #tpu.memory_space<vmem>>
        %dma_wait3A_92 = tpu.memref_squeeze %dma_wait3A_91 : memref<1x5x128xi32, #tpu.memory_space<vmem>> -> memref<5x128xi32, #tpu.memory_space<vmem>>
        %dma_wait3A_93 = arith.constant 0 : i32
        %dma_wait3A_94 = tpu.memref_slice %arg3[%mul3A_79, %dma_wait3A_93] : memref<6250x128xi32, #tpu.memory_space<hbm>> -> memref<5x128xi32, #tpu.memory_space<hbm>>
        tpu.wait_dma2 semaphore(%dma_wait3A_88 : memref<!tpu.dma_semaphore, #tpu.memory_space<semaphore_mem>>) src(%dma_wait3A_94 : memref<5x128xi32, #tpu.memory_space<hbm>>) dst(%dma_wait3A_92 : memref<5x128xi32, #tpu.memory_space<vmem>>)
        %dma_start3A = arith.constant 1 : i32
        %dma_start3A_95 = arith.constant 0 : i32
        %dma_start3A_96 = arith.constant 1 : i32
        %dma_start3A_97 = arith.constant 1 : i32
        %dma_start3A_98 = arith.constant 0 : i32
        %dma_start3A_99 = arith.constant 0 : i32
        %dma_start3A_100 = tpu.memref_slice %arg6[%dma_start3A_96, %dma_start3A_98, %dma_start3A_99] : memref<2x640x64xf32, #tpu.memory_space<vmem>> -> memref<1x128x64xf32, #tpu.memory_space<vmem>>
        %dma_start3A_101 = tpu.memref_squeeze %dma_start3A_100 : memref<1x128x64xf32, #tpu.memory_space<vmem>> -> memref<128x64xf32, #tpu.memory_space<vmem>>
        %dma_start3A_102 = arith.constant 0 : i32
        %dma_start3A_103 = tpu.memref_slice %arg5[%dma_start3A, %dma_start3A_95, %dma_start3A_102] : memref<2x5x128xi32, #tpu.memory_space<vmem>> -> memref<1x1x128xi32, #tpu.memory_space<vmem>>
        %dma_start3A_104 = tpu.memref_squeeze %dma_start3A_103 : memref<1x1x128xi32, #tpu.memory_space<vmem>> -> memref<128xi32, #tpu.memory_space<vmem>>
        %dma_start3A_105 = arith.constant 0 : i32
        %dma_start3A_106 = arith.constant 0 : i32
        %dma_start3A_107 = tpu.memref_slice %arg2[%dma_start3A_105, %dma_start3A_106] : memref<50000x64xf32, #tpu.memory_space<hbm>> -> memref<50000x64xf32, #tpu.memory_space<hbm>>
        %dma_start3A_108 = tpu.memref_slice %arg8[%dma_start3A_97] : memref<2x!tpu.dma_semaphore, #tpu.memory_space<semaphore_mem>> -> memref<1x!tpu.dma_semaphore, #tpu.memory_space<semaphore_mem>>
        %dma_start3A_109 = tpu.memref_squeeze %dma_start3A_108 : memref<1x!tpu.dma_semaphore, #tpu.memory_space<semaphore_mem>> -> memref<!tpu.dma_semaphore, #tpu.memory_space<semaphore_mem>>
        tpu.enqueue_indirect_dma source(%dma_start3A_107 : memref<50000x64xf32, #tpu.memory_space<hbm>>) target(%dma_start3A_101 : memref<128x64xf32, #tpu.memory_space<vmem>>) offsets(%dma_start3A_104 : memref<128xi32, #tpu.memory_space<vmem>>) semaphore(%dma_start3A_109 : memref<!tpu.dma_semaphore, #tpu.memory_space<semaphore_mem>>)
        %dma_start3A_110 = arith.constant 1 : i32
        %dma_start3A_111 = arith.constant 1 : i32
        %dma_start3A_112 = arith.constant 1 : i32
        %dma_start3A_113 = arith.constant 1 : i32
        %dma_start3A_114 = arith.constant 128 : i32
        %dma_start3A_115 = arith.constant 0 : i32
        %dma_start3A_116 = tpu.memref_slice %arg6[%dma_start3A_112, %dma_start3A_114, %dma_start3A_115] : memref<2x640x64xf32, #tpu.memory_space<vmem>> -> memref<1x128x64xf32, #tpu.memory_space<vmem>>
        %dma_start3A_117 = tpu.memref_squeeze %dma_start3A_116 : memref<1x128x64xf32, #tpu.memory_space<vmem>> -> memref<128x64xf32, #tpu.memory_space<vmem>>
        %dma_start3A_118 = arith.constant 0 : i32
        %dma_start3A_119 = tpu.memref_slice %arg5[%dma_start3A_110, %dma_start3A_111, %dma_start3A_118] : memref<2x5x128xi32, #tpu.memory_space<vmem>> -> memref<1x1x128xi32, #tpu.memory_space<vmem>>
        %dma_start3A_120 = tpu.memref_squeeze %dma_start3A_119 : memref<1x1x128xi32, #tpu.memory_space<vmem>> -> memref<128xi32, #tpu.memory_space<vmem>>
        %dma_start3A_121 = arith.constant 0 : i32
        %dma_start3A_122 = arith.constant 0 : i32
        %dma_start3A_123 = tpu.memref_slice %arg2[%dma_start3A_121, %dma_start3A_122] : memref<50000x64xf32, #tpu.memory_space<hbm>> -> memref<50000x64xf32, #tpu.memory_space<hbm>>
        %dma_start3A_124 = tpu.memref_slice %arg8[%dma_start3A_113] : memref<2x!tpu.dma_semaphore, #tpu.memory_space<semaphore_mem>> -> memref<1x!tpu.dma_semaphore, #tpu.memory_space<semaphore_mem>>
        %dma_start3A_125 = tpu.memref_squeeze %dma_start3A_124 : memref<1x!tpu.dma_semaphore, #tpu.memory_space<semaphore_mem>> -> memref<!tpu.dma_semaphore, #tpu.memory_space<semaphore_mem>>
        tpu.enqueue_indirect_dma source(%dma_start3A_123 : memref<50000x64xf32, #tpu.memory_space<hbm>>) target(%dma_start3A_117 : memref<128x64xf32, #tpu.memory_space<vmem>>) offsets(%dma_start3A_120 : memref<128xi32, #tpu.memory_space<vmem>>) semaphore(%dma_start3A_125 : memref<!tpu.dma_semaphore, #tpu.memory_space<semaphore_mem>>)
        %dma_start3A_126 = arith.constant 1 : i32
        %dma_start3A_127 = arith.constant 2 : i32
        %dma_start3A_128 = arith.constant 1 : i32
        %dma_start3A_129 = arith.constant 1 : i32
        %dma_start3A_130 = arith.constant 256 : i32
        %dma_start3A_131 = arith.constant 0 : i32
        %dma_start3A_132 = tpu.memref_slice %arg6[%dma_start3A_128, %dma_start3A_130, %dma_start3A_131] : memref<2x640x64xf32, #tpu.memory_space<vmem>> -> memref<1x128x64xf32, #tpu.memory_space<vmem>>
        %dma_start3A_133 = tpu.memref_squeeze %dma_start3A_132 : memref<1x128x64xf32, #tpu.memory_space<vmem>> -> memref<128x64xf32, #tpu.memory_space<vmem>>
        %dma_start3A_134 = arith.constant 0 : i32
        %dma_start3A_135 = tpu.memref_slice %arg5[%dma_start3A_126, %dma_start3A_127, %dma_start3A_134] : memref<2x5x128xi32, #tpu.memory_space<vmem>> -> memref<1x1x128xi32, #tpu.memory_space<vmem>>
        %dma_start3A_136 = tpu.memref_squeeze %dma_start3A_135 : memref<1x1x128xi32, #tpu.memory_space<vmem>> -> memref<128xi32, #tpu.memory_space<vmem>>
        %dma_start3A_137 = arith.constant 0 : i32
        %dma_start3A_138 = arith.constant 0 : i32
        %dma_start3A_139 = tpu.memref_slice %arg2[%dma_start3A_137, %dma_start3A_138] : memref<50000x64xf32, #tpu.memory_space<hbm>> -> memref<50000x64xf32, #tpu.memory_space<hbm>>
        %dma_start3A_140 = tpu.memref_slice %arg8[%dma_start3A_129] : memref<2x!tpu.dma_semaphore, #tpu.memory_space<semaphore_mem>> -> memref<1x!tpu.dma_semaphore, #tpu.memory_space<semaphore_mem>>
        %dma_start3A_141 = tpu.memref_squeeze %dma_start3A_140 : memref<1x!tpu.dma_semaphore, #tpu.memory_space<semaphore_mem>> -> memref<!tpu.dma_semaphore, #tpu.memory_space<semaphore_mem>>
        tpu.enqueue_indirect_dma source(%dma_start3A_139 : memref<50000x64xf32, #tpu.memory_space<hbm>>) target(%dma_start3A_133 : memref<128x64xf32, #tpu.memory_space<vmem>>) offsets(%dma_start3A_136 : memref<128xi32, #tpu.memory_space<vmem>>) semaphore(%dma_start3A_141 : memref<!tpu.dma_semaphore, #tpu.memory_space<semaphore_mem>>)
        %dma_start3A_142 = arith.constant 1 : i32
        %dma_start3A_143 = arith.constant 3 : i32
        %dma_start3A_144 = arith.constant 1 : i32
        %dma_start3A_145 = arith.constant 1 : i32
        %dma_start3A_146 = arith.constant 384 : i32
        %dma_start3A_147 = arith.constant 0 : i32
        %dma_start3A_148 = tpu.memref_slice %arg6[%dma_start3A_144, %dma_start3A_146, %dma_start3A_147] : memref<2x640x64xf32, #tpu.memory_space<vmem>> -> memref<1x128x64xf32, #tpu.memory_space<vmem>>
        %dma_start3A_149 = tpu.memref_squeeze %dma_start3A_148 : memref<1x128x64xf32, #tpu.memory_space<vmem>> -> memref<128x64xf32, #tpu.memory_space<vmem>>
        %dma_start3A_150 = arith.constant 0 : i32
        %dma_start3A_151 = tpu.memref_slice %arg5[%dma_start3A_142, %dma_start3A_143, %dma_start3A_150] : memref<2x5x128xi32, #tpu.memory_space<vmem>> -> memref<1x1x128xi32, #tpu.memory_space<vmem>>
        %dma_start3A_152 = tpu.memref_squeeze %dma_start3A_151 : memref<1x1x128xi32, #tpu.memory_space<vmem>> -> memref<128xi32, #tpu.memory_space<vmem>>
        %dma_start3A_153 = arith.constant 0 : i32
        %dma_start3A_154 = arith.constant 0 : i32
        %dma_start3A_155 = tpu.memref_slice %arg2[%dma_start3A_153, %dma_start3A_154] : memref<50000x64xf32, #tpu.memory_space<hbm>> -> memref<50000x64xf32, #tpu.memory_space<hbm>>
        %dma_start3A_156 = tpu.memref_slice %arg8[%dma_start3A_145] : memref<2x!tpu.dma_semaphore, #tpu.memory_space<semaphore_mem>> -> memref<1x!tpu.dma_semaphore, #tpu.memory_space<semaphore_mem>>
        %dma_start3A_157 = tpu.memref_squeeze %dma_start3A_156 : memref<1x!tpu.dma_semaphore, #tpu.memory_space<semaphore_mem>> -> memref<!tpu.dma_semaphore, #tpu.memory_space<semaphore_mem>>
        tpu.enqueue_indirect_dma source(%dma_start3A_155 : memref<50000x64xf32, #tpu.memory_space<hbm>>) target(%dma_start3A_149 : memref<128x64xf32, #tpu.memory_space<vmem>>) offsets(%dma_start3A_152 : memref<128xi32, #tpu.memory_space<vmem>>) semaphore(%dma_start3A_157 : memref<!tpu.dma_semaphore, #tpu.memory_space<semaphore_mem>>)
        %dma_start3A_158 = arith.constant 1 : i32
        %dma_start3A_159 = arith.constant 4 : i32
        %dma_start3A_160 = arith.constant 1 : i32
        %dma_start3A_161 = arith.constant 1 : i32
        %dma_start3A_162 = arith.constant 512 : i32
        %dma_start3A_163 = arith.constant 0 : i32
        %dma_start3A_164 = tpu.memref_slice %arg6[%dma_start3A_160, %dma_start3A_162, %dma_start3A_163] : memref<2x640x64xf32, #tpu.memory_space<vmem>> -> memref<1x128x64xf32, #tpu.memory_space<vmem>>
        %dma_start3A_165 = tpu.memref_squeeze %dma_start3A_164 : memref<1x128x64xf32, #tpu.memory_space<vmem>> -> memref<128x64xf32, #tpu.memory_space<vmem>>
        %dma_start3A_166 = arith.constant 0 : i32
        %dma_start3A_167 = tpu.memref_slice %arg5[%dma_start3A_158, %dma_start3A_159, %dma_start3A_166] : memref<2x5x128xi32, #tpu.memory_space<vmem>> -> memref<1x1x128xi32, #tpu.memory_space<vmem>>
        %dma_start3A_168 = tpu.memref_squeeze %dma_start3A_167 : memref<1x1x128xi32, #tpu.memory_space<vmem>> -> memref<128xi32, #tpu.memory_space<vmem>>
        %dma_start3A_169 = arith.constant 0 : i32
        %dma_start3A_170 = arith.constant 0 : i32
        %dma_start3A_171 = tpu.memref_slice %arg2[%dma_start3A_169, %dma_start3A_170] : memref<50000x64xf32, #tpu.memory_space<hbm>> -> memref<50000x64xf32, #tpu.memory_space<hbm>>
        %dma_start3A_172 = tpu.memref_slice %arg8[%dma_start3A_161] : memref<2x!tpu.dma_semaphore, #tpu.memory_space<semaphore_mem>> -> memref<1x!tpu.dma_semaphore, #tpu.memory_space<semaphore_mem>>
        %dma_start3A_173 = tpu.memref_squeeze %dma_start3A_172 : memref<1x!tpu.dma_semaphore, #tpu.memory_space<semaphore_mem>> -> memref<!tpu.dma_semaphore, #tpu.memory_space<semaphore_mem>>
        tpu.enqueue_indirect_dma source(%dma_start3A_171 : memref<50000x64xf32, #tpu.memory_space<hbm>>) target(%dma_start3A_165 : memref<128x64xf32, #tpu.memory_space<vmem>>) offsets(%dma_start3A_168 : memref<128xi32, #tpu.memory_space<vmem>>) semaphore(%dma_start3A_173 : memref<!tpu.dma_semaphore, #tpu.memory_space<semaphore_mem>>)
        %dma_wait3A_174 = arith.constant 1 : i32
        %dma_wait3A_175 = arith.constant 1 : i32
        %dma_wait3A_176 = arith.constant 0 : i32
        %dma_wait3A_177 = arith.constant 0 : i32
        %dma_wait3A_178 = tpu.memref_slice %arg6[%dma_wait3A_174, %dma_wait3A_176, %dma_wait3A_177] : memref<2x640x64xf32, #tpu.memory_space<vmem>> -> memref<1x640x64xf32, #tpu.memory_space<vmem>>
        %dma_wait3A_179 = tpu.memref_squeeze %dma_wait3A_178 : memref<1x640x64xf32, #tpu.memory_space<vmem>> -> memref<640x64xf32, #tpu.memory_space<vmem>>
        %dma_wait3A_180 = arith.constant 0 : i32
        %dma_wait3A_181 = arith.constant 0 : i32
        %dma_wait3A_182 = tpu.memref_slice %arg2[%dma_wait3A_180, %dma_wait3A_181] : memref<50000x64xf32, #tpu.memory_space<hbm>> -> memref<640x64xf32, #tpu.memory_space<hbm>>
        %dma_wait3A_183 = tpu.memref_slice %arg8[%dma_wait3A_175] : memref<2x!tpu.dma_semaphore, #tpu.memory_space<semaphore_mem>> -> memref<1x!tpu.dma_semaphore, #tpu.memory_space<semaphore_mem>>
        %dma_wait3A_184 = tpu.memref_squeeze %dma_wait3A_183 : memref<1x!tpu.dma_semaphore, #tpu.memory_space<semaphore_mem>> -> memref<!tpu.dma_semaphore, #tpu.memory_space<semaphore_mem>>
        %dma_wait3A_185 = arith.constant 0 : i32
        %dma_wait3A_186 = arith.constant 0 : i32
        %dma_wait3A_187 = tpu.memref_slice %arg6[%dma_wait3A_174, %dma_wait3A_185, %dma_wait3A_186] : memref<2x640x64xf32, #tpu.memory_space<vmem>> -> memref<1x640x64xf32, #tpu.memory_space<vmem>>
        %dma_wait3A_188 = tpu.memref_squeeze %dma_wait3A_187 : memref<1x640x64xf32, #tpu.memory_space<vmem>> -> memref<640x64xf32, #tpu.memory_space<vmem>>
        %dma_wait3A_189 = arith.constant 0 : i32
        %dma_wait3A_190 = arith.constant 0 : i32
        %dma_wait3A_191 = tpu.memref_slice %arg2[%dma_wait3A_189, %dma_wait3A_190] : memref<50000x64xf32, #tpu.memory_space<hbm>> -> memref<640x64xf32, #tpu.memory_space<hbm>>
        tpu.wait_dma2 semaphore(%dma_wait3A_184 : memref<!tpu.dma_semaphore, #tpu.memory_space<semaphore_mem>>) src(%dma_wait3A_191 : memref<640x64xf32, #tpu.memory_space<hbm>>) dst(%dma_wait3A_188 : memref<640x64xf32, #tpu.memory_space<vmem>>)
        %mul3A_192 = arith.constant 640 : i32
        %mul3A_193 = arith.muli %add3A_55, %mul3A_192 : i32
        %dma_start3A_194 = arith.constant 1 : i32
        %dma_start3A_195 = arith.constant 1 : i32
        %dma_start3A_196 = arith.constant 0 : i32
        %dma_start3A_197 = arith.constant 0 : i32
        %dma_start3A_198 = tpu.memref_slice %arg6[%dma_start3A_194, %dma_start3A_196, %dma_start3A_197] : memref<2x640x64xf32, #tpu.memory_space<vmem>> -> memref<1x640x64xf32, #tpu.memory_space<vmem>>
        %dma_start3A_199 = tpu.memref_squeeze %dma_start3A_198 : memref<1x640x64xf32, #tpu.memory_space<vmem>> -> memref<640x64xf32, #tpu.memory_space<vmem>>
        %dma_start3A_200 = arith.constant 0 : i32
        %dma_start3A_201 = tpu.memref_slice %arg4[%mul3A_193, %dma_start3A_200] : memref<800000x64xf32, #tpu.memory_space<hbm>> -> memref<640x64xf32, #tpu.memory_space<hbm>>
        %dma_start3A_202 = tpu.memref_slice %arg9[%dma_start3A_195] : memref<2x!tpu.dma_semaphore, #tpu.memory_space<semaphore_mem>> -> memref<1x!tpu.dma_semaphore, #tpu.memory_space<semaphore_mem>>
        %dma_start3A_203 = tpu.memref_squeeze %dma_start3A_202 : memref<1x!tpu.dma_semaphore, #tpu.memory_space<semaphore_mem>> -> memref<!tpu.dma_semaphore, #tpu.memory_space<semaphore_mem>>
        %dma_start3A_204 = arith.constant 0 : i32
        %dma_start3A_205 = tpu.memref_slice %arg4[%mul3A_193, %dma_start3A_204] : memref<800000x64xf32, #tpu.memory_space<hbm>> -> memref<640x64xf32, #tpu.memory_space<hbm>>
        %dma_start3A_206 = arith.constant 0 : i32
        %dma_start3A_207 = arith.constant 0 : i32
        %dma_start3A_208 = tpu.memref_slice %arg6[%dma_start3A_194, %dma_start3A_206, %dma_start3A_207] : memref<2x640x64xf32, #tpu.memory_space<vmem>> -> memref<1x640x64xf32, #tpu.memory_space<vmem>>
        %dma_start3A_209 = tpu.memref_squeeze %dma_start3A_208 : memref<1x640x64xf32, #tpu.memory_space<vmem>> -> memref<640x64xf32, #tpu.memory_space<vmem>>
        tpu.enqueue_dma source(%dma_start3A_209 : memref<640x64xf32, #tpu.memory_space<vmem>>) target(%dma_start3A_205 : memref<640x64xf32, #tpu.memory_space<hbm>>) target_semaphore(%dma_start3A_203 : memref<!tpu.dma_semaphore, #tpu.memory_space<semaphore_mem>>)
      } else {
      }
    }
    %scan3A_7 = arith.constant 20 : i32
    %add3A_8 = arith.constant 1216 : i32
    %add3A_9 = arith.addi %add3A, %add3A_8 : i32
    %lt3A_10 = arith.constant 1250 : i32
    %lt3A_11 = arith.cmpi slt, %add3A_9, %lt3A_10 : i32
    %convert_element_type3A_12 = arith.extui %lt3A_11 : i1 to i32
    %cond3A_13 = arith.constant 0 : i32
    %cond3A_14 = arith.cmpi ne, %convert_element_type3A_12, %cond3A_13 : i32
    scf.if %cond3A_14 {
      %mul3A_22 = arith.constant 640 : i32
      %mul3A_23 = arith.muli %add3A_9, %mul3A_22 : i32
      %dma_wait3A = arith.constant 0 : i32
      %dma_wait3A_24 = arith.constant 0 : i32
      %dma_wait3A_25 = arith.constant 0 : i32
      %dma_wait3A_26 = arith.constant 0 : i32
      %dma_wait3A_27 = tpu.memref_slice %arg6[%dma_wait3A, %dma_wait3A_25, %dma_wait3A_26] : memref<2x640x64xf32, #tpu.memory_space<vmem>> -> memref<1x640x64xf32, #tpu.memory_space<vmem>>
      %dma_wait3A_28 = tpu.memref_squeeze %dma_wait3A_27 : memref<1x640x64xf32, #tpu.memory_space<vmem>> -> memref<640x64xf32, #tpu.memory_space<vmem>>
      %dma_wait3A_29 = arith.constant 0 : i32
      %dma_wait3A_30 = tpu.memref_slice %arg4[%mul3A_23, %dma_wait3A_29] : memref<800000x64xf32, #tpu.memory_space<hbm>> -> memref<640x64xf32, #tpu.memory_space<hbm>>
      %dma_wait3A_31 = tpu.memref_slice %arg9[%dma_wait3A_24] : memref<2x!tpu.dma_semaphore, #tpu.memory_space<semaphore_mem>> -> memref<1x!tpu.dma_semaphore, #tpu.memory_space<semaphore_mem>>
      %dma_wait3A_32 = tpu.memref_squeeze %dma_wait3A_31 : memref<1x!tpu.dma_semaphore, #tpu.memory_space<semaphore_mem>> -> memref<!tpu.dma_semaphore, #tpu.memory_space<semaphore_mem>>
      %dma_wait3A_33 = arith.constant 0 : i32
      %dma_wait3A_34 = tpu.memref_slice %arg4[%mul3A_23, %dma_wait3A_33] : memref<800000x64xf32, #tpu.memory_space<hbm>> -> memref<640x64xf32, #tpu.memory_space<hbm>>
      %dma_wait3A_35 = arith.constant 0 : i32
      %dma_wait3A_36 = arith.constant 0 : i32
      %dma_wait3A_37 = tpu.memref_slice %arg6[%dma_wait3A, %dma_wait3A_35, %dma_wait3A_36] : memref<2x640x64xf32, #tpu.memory_space<vmem>> -> memref<1x640x64xf32, #tpu.memory_space<vmem>>
      %dma_wait3A_38 = tpu.memref_squeeze %dma_wait3A_37 : memref<1x640x64xf32, #tpu.memory_space<vmem>> -> memref<640x64xf32, #tpu.memory_space<vmem>>
      tpu.wait_dma2 semaphore(%dma_wait3A_32 : memref<!tpu.dma_semaphore, #tpu.memory_space<semaphore_mem>>) src(%dma_wait3A_38 : memref<640x64xf32, #tpu.memory_space<vmem>>) dst(%dma_wait3A_34 : memref<640x64xf32, #tpu.memory_space<hbm>>)
    } else {
    }
    %add3A_15 = arith.constant 1248 : i32
    %add3A_16 = arith.addi %add3A, %add3A_15 : i32
    %lt3A_17 = arith.constant 1250 : i32
    %lt3A_18 = arith.cmpi slt, %add3A_16, %lt3A_17 : i32
    %convert_element_type3A_19 = arith.extui %lt3A_18 : i1 to i32
    %cond3A_20 = arith.constant 0 : i32
    %cond3A_21 = arith.cmpi ne, %convert_element_type3A_19, %cond3A_20 : i32
    scf.if %cond3A_21 {
      %mul3A_22 = arith.constant 640 : i32
      %mul3A_23 = arith.muli %add3A_16, %mul3A_22 : i32
      %dma_wait3A = arith.constant 1 : i32
      %dma_wait3A_24 = arith.constant 1 : i32
      %dma_wait3A_25 = arith.constant 0 : i32
      %dma_wait3A_26 = arith.constant 0 : i32
      %dma_wait3A_27 = tpu.memref_slice %arg6[%dma_wait3A, %dma_wait3A_25, %dma_wait3A_26] : memref<2x640x64xf32, #tpu.memory_space<vmem>> -> memref<1x640x64xf32, #tpu.memory_space<vmem>>
      %dma_wait3A_28 = tpu.memref_squeeze %dma_wait3A_27 : memref<1x640x64xf32, #tpu.memory_space<vmem>> -> memref<640x64xf32, #tpu.memory_space<vmem>>
      %dma_wait3A_29 = arith.constant 0 : i32
      %dma_wait3A_30 = tpu.memref_slice %arg4[%mul3A_23, %dma_wait3A_29] : memref<800000x64xf32, #tpu.memory_space<hbm>> -> memref<640x64xf32, #tpu.memory_space<hbm>>
      %dma_wait3A_31 = tpu.memref_slice %arg9[%dma_wait3A_24] : memref<2x!tpu.dma_semaphore, #tpu.memory_space<semaphore_mem>> -> memref<1x!tpu.dma_semaphore, #tpu.memory_space<semaphore_mem>>
      %dma_wait3A_32 = tpu.memref_squeeze %dma_wait3A_31 : memref<1x!tpu.dma_semaphore, #tpu.memory_space<semaphore_mem>> -> memref<!tpu.dma_semaphore, #tpu.memory_space<semaphore_mem>>
      %dma_wait3A_33 = arith.constant 0 : i32
      %dma_wait3A_34 = tpu.memref_slice %arg4[%mul3A_23, %dma_wait3A_33] : memref<800000x64xf32, #tpu.memory_space<hbm>> -> memref<640x64xf32, #tpu.memory_space<hbm>>
      %dma_wait3A_35 = arith.constant 0 : i32
      %dma_wait3A_36 = arith.constant 0 : i32
      %dma_wait3A_37 = tpu.memref_slice %arg6[%dma_wait3A, %dma_wait3A_35, %dma_wait3A_36] : memref<2x640x64xf32, #tpu.memory_space<vmem>> -> memref<1x640x64xf32, #tpu.memory_space<vmem>>
      %dma_wait3A_38 = tpu.memref_squeeze %dma_wait3A_37 : memref<1x640x64xf32, #tpu.memory_space<vmem>> -> memref<640x64xf32, #tpu.memory_space<vmem>>
      tpu.wait_dma2 semaphore(%dma_wait3A_32 : memref<!tpu.dma_semaphore, #tpu.memory_space<semaphore_mem>>) src(%dma_wait3A_38 : memref<640x64xf32, #tpu.memory_space<vmem>>) dst(%dma_wait3A_34 : memref<640x64xf32, #tpu.memory_space<hbm>>)
    } else {
    }
    return
  }
}

#map = affine_map<(d0, d1) -> (0, 0)>
#map1 = affine_map<(d0, d1) -> (0, 0, 0)>
module attributes {stable_mosaic.version = 14 : i64} {
  func.func @_scatter(%arg0: i32, %arg1: i32, %arg2: memref<6250x128xi32, #tpu.memory_space<hbm>>, %arg3: memref<800000x64xf32, #tpu.memory_space<hbm>>, %arg4: memref<50048x32xf32, #tpu.memory_space<hbm>>, %arg5: memref<2x50048x32xf32, #tpu.memory_space<hbm>>, %arg6: memref<2x2x128xi32, #tpu.memory_space<vmem>>, %arg7: memref<2x256x32xf32, #tpu.memory_space<vmem>>, %arg8: memref<50048x32xf32, #tpu.memory_space<vmem_shared>>, %arg9: memref<2x!tpu.dma_semaphore, #tpu.memory_space<semaphore_mem>>, %arg10: memref<2x!tpu.dma_semaphore, #tpu.memory_space<semaphore_mem>>, %arg11: memref<2x!tpu.dma_semaphore, #tpu.memory_space<semaphore_mem>>) attributes {dimension_semantics = [#tpu.dimension_semantics<core_parallel>, #tpu.dimension_semantics<subcore_parallel>], iteration_bounds = array<i64: 2, 16>, scalar_prefetch = 0 : i64, scratch_operands = 6 : i64, tpu.core_type = #tpu.core_type<sc_vector_subcore>, window_params = [{transform_indices = #map}, {transform_indices = #map}, {transform_indices = #map}, {transform_indices = #map1}]} {
    %mul3A = arith.constant 3128 : i32
    %mul3A_0 = arith.muli %arg1, %mul3A : i32
    "tpu.region"() ({
      %run_scoped3A = tpu.sem_alloc : memref<!tpu.dma_semaphore, #tpu.memory_space<semaphore_mem>>
      %dma_start3A = arith.constant 0 : i32
      %dma_start3A_15 = tpu.memref_slice %arg8[%mul3A_0, %dma_start3A] : memref<50048x32xf32, #tpu.memory_space<vmem_shared>> -> memref<3128x32xf32, #tpu.memory_space<vmem_shared>>
      %dma_start3A_16 = arith.constant 0 : i32
      %dma_start3A_17 = tpu.memref_slice %arg4[%mul3A_0, %dma_start3A_16] : memref<50048x32xf32, #tpu.memory_space<hbm>> -> memref<3128x32xf32, #tpu.memory_space<hbm>>
      tpu.enqueue_dma source(%dma_start3A_17 : memref<3128x32xf32, #tpu.memory_space<hbm>>) target(%dma_start3A_15 : memref<3128x32xf32, #tpu.memory_space<vmem_shared>>) target_semaphore(%run_scoped3A : memref<!tpu.dma_semaphore, #tpu.memory_space<semaphore_mem>>)
      %dma_wait3A = arith.constant 0 : i32
      %dma_wait3A_18 = tpu.memref_slice %arg8[%mul3A_0, %dma_wait3A] : memref<50048x32xf32, #tpu.memory_space<vmem_shared>> -> memref<3128x32xf32, #tpu.memory_space<vmem_shared>>
      %dma_wait3A_19 = arith.constant 0 : i32
      %dma_wait3A_20 = tpu.memref_slice %arg4[%mul3A_0, %dma_wait3A_19] : memref<50048x32xf32, #tpu.memory_space<hbm>> -> memref<3128x32xf32, #tpu.memory_space<hbm>>
      tpu.wait_dma2 semaphore(%run_scoped3A : memref<!tpu.dma_semaphore, #tpu.memory_space<semaphore_mem>>) src(%dma_wait3A_20 : memref<3128x32xf32, #tpu.memory_space<hbm>>) dst(%dma_wait3A_18 : memref<3128x32xf32, #tpu.memory_space<vmem_shared>>)
      tpu.yield
    }) : () -> ()
    %barrier3A = arith.constant 0 : index
    tpu.barrier barrier_id(%barrier3A)
    %lt3A = arith.constant 3125 : i32
    %lt3A_1 = arith.cmpi slt, %arg1, %lt3A : i32
    %convert_element_type3A = arith.extui %lt3A_1 : i1 to i32
    %cond3A = arith.constant 0 : i32
    %cond3A_2 = arith.cmpi ne, %convert_element_type3A, %cond3A : i32
    scf.if %cond3A_2 {
      %mul3A_15 = arith.constant 2 : i32
      %mul3A_16 = arith.muli %arg1, %mul3A_15 : i32
      %dma_start3A = arith.constant 0 : i32
      %dma_start3A_17 = arith.constant 0 : i32
      %dma_start3A_18 = arith.constant 0 : i32
      %dma_start3A_19 = arith.constant 0 : i32
      %dma_start3A_20 = tpu.memref_slice %arg6[%dma_start3A, %dma_start3A_18, %dma_start3A_19] : memref<2x2x128xi32, #tpu.memory_space<vmem>> -> memref<1x2x128xi32, #tpu.memory_space<vmem>>
      %dma_start3A_21 = tpu.memref_squeeze %dma_start3A_20 : memref<1x2x128xi32, #tpu.memory_space<vmem>> -> memref<2x128xi32, #tpu.memory_space<vmem>>
      %dma_start3A_22 = arith.constant 0 : i32
      %dma_start3A_23 = tpu.memref_slice %arg2[%mul3A_16, %dma_start3A_22] : memref<6250x128xi32, #tpu.memory_space<hbm>> -> memref<2x128xi32, #tpu.memory_space<hbm>>
      %dma_start3A_24 = tpu.memref_slice %arg9[%dma_start3A_17] : memref<2x!tpu.dma_semaphore, #tpu.memory_space<semaphore_mem>> -> memref<1x!tpu.dma_semaphore, #tpu.memory_space<semaphore_mem>>
      %dma_start3A_25 = tpu.memref_squeeze %dma_start3A_24 : memref<1x!tpu.dma_semaphore, #tpu.memory_space<semaphore_mem>> -> memref<!tpu.dma_semaphore, #tpu.memory_space<semaphore_mem>>
      %dma_start3A_26 = arith.constant 0 : i32
      %dma_start3A_27 = arith.constant 0 : i32
      %dma_start3A_28 = tpu.memref_slice %arg6[%dma_start3A, %dma_start3A_26, %dma_start3A_27] : memref<2x2x128xi32, #tpu.memory_space<vmem>> -> memref<1x2x128xi32, #tpu.memory_space<vmem>>
      %dma_start3A_29 = tpu.memref_squeeze %dma_start3A_28 : memref<1x2x128xi32, #tpu.memory_space<vmem>> -> memref<2x128xi32, #tpu.memory_space<vmem>>
      %dma_start3A_30 = arith.constant 0 : i32
      %dma_start3A_31 = tpu.memref_slice %arg2[%mul3A_16, %dma_start3A_30] : memref<6250x128xi32, #tpu.memory_space<hbm>> -> memref<2x128xi32, #tpu.memory_space<hbm>>
      tpu.enqueue_dma source(%dma_start3A_31 : memref<2x128xi32, #tpu.memory_space<hbm>>) target(%dma_start3A_29 : memref<2x128xi32, #tpu.memory_space<vmem>>) target_semaphore(%dma_start3A_25 : memref<!tpu.dma_semaphore, #tpu.memory_space<semaphore_mem>>)
      %mul3A_32 = arith.constant 256 : i32
      %mul3A_33 = arith.muli %arg1, %mul3A_32 : i32
      %mul3A_34 = arith.constant 32 : i32
      %mul3A_35 = arith.muli %arg0, %mul3A_34 : i32
      %dma_start3A_36 = arith.constant 0 : i32
      %dma_start3A_37 = arith.constant 0 : i32
      %dma_start3A_38 = arith.constant 0 : i32
      %dma_start3A_39 = arith.constant 0 : i32
      %dma_start3A_40 = tpu.memref_slice %arg7[%dma_start3A_36, %dma_start3A_38, %dma_start3A_39] : memref<2x256x32xf32, #tpu.memory_space<vmem>> -> memref<1x256x32xf32, #tpu.memory_space<vmem>>
      %dma_start3A_41 = tpu.memref_squeeze %dma_start3A_40 : memref<1x256x32xf32, #tpu.memory_space<vmem>> -> memref<256x32xf32, #tpu.memory_space<vmem>>
      %dma_start3A_42 = tpu.memref_slice %arg3[%mul3A_33, %mul3A_35] : memref<800000x64xf32, #tpu.memory_space<hbm>> -> memref<256x32xf32, #tpu.memory_space<hbm>>
      %dma_start3A_43 = tpu.memref_slice %arg10[%dma_start3A_37] : memref<2x!tpu.dma_semaphore, #tpu.memory_space<semaphore_mem>> -> memref<1x!tpu.dma_semaphore, #tpu.memory_space<semaphore_mem>>
      %dma_start3A_44 = tpu.memref_squeeze %dma_start3A_43 : memref<1x!tpu.dma_semaphore, #tpu.memory_space<semaphore_mem>> -> memref<!tpu.dma_semaphore, #tpu.memory_space<semaphore_mem>>
      %dma_start3A_45 = arith.constant 0 : i32
      %dma_start3A_46 = arith.constant 0 : i32
      %dma_start3A_47 = tpu.memref_slice %arg7[%dma_start3A_36, %dma_start3A_45, %dma_start3A_46] : memref<2x256x32xf32, #tpu.memory_space<vmem>> -> memref<1x256x32xf32, #tpu.memory_space<vmem>>
      %dma_start3A_48 = tpu.memref_squeeze %dma_start3A_47 : memref<1x256x32xf32, #tpu.memory_space<vmem>> -> memref<256x32xf32, #tpu.memory_space<vmem>>
      %dma_start3A_49 = tpu.memref_slice %arg3[%mul3A_33, %mul3A_35] : memref<800000x64xf32, #tpu.memory_space<hbm>> -> memref<256x32xf32, #tpu.memory_space<hbm>>
      tpu.enqueue_dma source(%dma_start3A_49 : memref<256x32xf32, #tpu.memory_space<hbm>>) target(%dma_start3A_48 : memref<256x32xf32, #tpu.memory_space<vmem>>) target_semaphore(%dma_start3A_44 : memref<!tpu.dma_semaphore, #tpu.memory_space<semaphore_mem>>)
    } else {
    }
    %scan3A = arith.constant 0 : i32
    %scan3A_3 = arith.constant 0 : i32
    %scan3A_4 = arith.constant 98 : i32
    %scan3A_5 = arith.addi %scan3A_3, %scan3A_4 : i32
    %scan3A_6 = arith.constant 1 : i32
    scf.for %scan3A_15 = %scan3A_3 to %scan3A_5 step %scan3A_6  : i32 {
      %mul3A_16 = arith.constant 2 : i32
      %mul3A_17 = arith.muli %scan3A_15, %mul3A_16 : i32
      %add3A_18 = arith.constant 0 : i32
      %add3A_19 = arith.addi %mul3A_17, %add3A_18 : i32
      %mul3A_20 = arith.constant 16 : i32
      %mul3A_21 = arith.muli %add3A_19, %mul3A_20 : i32
      %add3A_22 = arith.addi %arg1, %mul3A_21 : i32
      %ge3A = arith.constant 1 : i32
      %ge3A_23 = arith.cmpi sge, %add3A_19, %ge3A : i32
      %sub3A = arith.constant 16 : i32
      %sub3A_24 = arith.subi %add3A_22, %sub3A : i32
      %lt3A_25 = arith.constant 3125 : i32
      %lt3A_26 = arith.cmpi slt, %sub3A_24, %lt3A_25 : i32
      %and3A = arith.andi %ge3A_23, %lt3A_26 : i1
      %convert_element_type3A_27 = arith.extui %and3A : i1 to i32
      %cond3A_28 = arith.constant 0 : i32
      %cond3A_29 = arith.cmpi ne, %convert_element_type3A_27, %cond3A_28 : i32
      scf.if %cond3A_29 {
        %dma_wait3A = arith.constant 1 : i32
        %dma_wait3A_71 = arith.constant 1 : i32
        %dma_wait3A_72 = arith.constant 0 : i32
        %dma_wait3A_73 = arith.constant 0 : i32
        %dma_wait3A_74 = tpu.memref_slice %arg7[%dma_wait3A, %dma_wait3A_72, %dma_wait3A_73] : memref<2x256x32xf32, #tpu.memory_space<vmem>> -> memref<1x256x32xf32, #tpu.memory_space<vmem>>
        %dma_wait3A_75 = tpu.memref_squeeze %dma_wait3A_74 : memref<1x256x32xf32, #tpu.memory_space<vmem>> -> memref<256x32xf32, #tpu.memory_space<vmem>>
        %dma_wait3A_76 = arith.constant 0 : i32
        %dma_wait3A_77 = arith.constant 0 : i32
        %dma_wait3A_78 = tpu.memref_slice %arg8[%dma_wait3A_76, %dma_wait3A_77] : memref<50048x32xf32, #tpu.memory_space<vmem_shared>> -> memref<256x32xf32, #tpu.memory_space<vmem_shared>>
        %dma_wait3A_79 = tpu.memref_slice %arg11[%dma_wait3A_71] : memref<2x!tpu.dma_semaphore, #tpu.memory_space<semaphore_mem>> -> memref<1x!tpu.dma_semaphore, #tpu.memory_space<semaphore_mem>>
        %dma_wait3A_80 = tpu.memref_squeeze %dma_wait3A_79 : memref<1x!tpu.dma_semaphore, #tpu.memory_space<semaphore_mem>> -> memref<!tpu.dma_semaphore, #tpu.memory_space<semaphore_mem>>
        %dma_wait3A_81 = arith.constant 0 : i32
        %dma_wait3A_82 = arith.constant 0 : i32
        %dma_wait3A_83 = tpu.memref_slice %arg8[%dma_wait3A_81, %dma_wait3A_82] : memref<50048x32xf32, #tpu.memory_space<vmem_shared>> -> memref<256x32xf32, #tpu.memory_space<vmem_shared>>
        %dma_wait3A_84 = arith.constant 0 : i32
        %dma_wait3A_85 = arith.constant 0 : i32
        %dma_wait3A_86 = tpu.memref_slice %arg7[%dma_wait3A, %dma_wait3A_84, %dma_wait3A_85] : memref<2x256x32xf32, #tpu.memory_space<vmem>> -> memref<1x256x32xf32, #tpu.memory_space<vmem>>
        %dma_wait3A_87 = tpu.memref_squeeze %dma_wait3A_86 : memref<1x256x32xf32, #tpu.memory_space<vmem>> -> memref<256x32xf32, #tpu.memory_space<vmem>>
        tpu.wait_dma2 semaphore(%dma_wait3A_80 : memref<!tpu.dma_semaphore, #tpu.memory_space<semaphore_mem>>) src(%dma_wait3A_87 : memref<256x32xf32, #tpu.memory_space<vmem>>) dst(%dma_wait3A_83 : memref<256x32xf32, #tpu.memory_space<vmem_shared>>)
      } else {
      }
      %add3A_30 = arith.constant 16 : i32
      %add3A_31 = arith.addi %add3A_22, %add3A_30 : i32
      %lt3A_32 = arith.constant 3125 : i32
      %lt3A_33 = arith.cmpi slt, %add3A_31, %lt3A_32 : i32
      %convert_element_type3A_34 = arith.extui %lt3A_33 : i1 to i32
      %cond3A_35 = arith.constant 0 : i32
      %cond3A_36 = arith.cmpi ne, %convert_element_type3A_34, %cond3A_35 : i32
      scf.if %cond3A_36 {
        %add3A_71 = arith.constant 16 : i32
        %add3A_72 = arith.addi %add3A_22, %add3A_71 : i32
        %mul3A_73 = arith.constant 2 : i32
        %mul3A_74 = arith.muli %add3A_72, %mul3A_73 : i32
        %dma_start3A = arith.constant 1 : i32
        %dma_start3A_75 = arith.constant 1 : i32
        %dma_start3A_76 = arith.constant 0 : i32
        %dma_start3A_77 = arith.constant 0 : i32
        %dma_start3A_78 = tpu.memref_slice %arg6[%dma_start3A, %dma_start3A_76, %dma_start3A_77] : memref<2x2x128xi32, #tpu.memory_space<vmem>> -> memref<1x2x128xi32, #tpu.memory_space<vmem>>
        %dma_start3A_79 = tpu.memref_squeeze %dma_start3A_78 : memref<1x2x128xi32, #tpu.memory_space<vmem>> -> memref<2x128xi32, #tpu.memory_space<vmem>>
        %dma_start3A_80 = arith.constant 0 : i32
        %dma_start3A_81 = tpu.memref_slice %arg2[%mul3A_74, %dma_start3A_80] : memref<6250x128xi32, #tpu.memory_space<hbm>> -> memref<2x128xi32, #tpu.memory_space<hbm>>
        %dma_start3A_82 = tpu.memref_slice %arg9[%dma_start3A_75] : memref<2x!tpu.dma_semaphore, #tpu.memory_space<semaphore_mem>> -> memref<1x!tpu.dma_semaphore, #tpu.memory_space<semaphore_mem>>
        %dma_start3A_83 = tpu.memref_squeeze %dma_start3A_82 : memref<1x!tpu.dma_semaphore, #tpu.memory_space<semaphore_mem>> -> memref<!tpu.dma_semaphore, #tpu.memory_space<semaphore_mem>>
        %dma_start3A_84 = arith.constant 0 : i32
        %dma_start3A_85 = arith.constant 0 : i32
        %dma_start3A_86 = tpu.memref_slice %arg6[%dma_start3A, %dma_start3A_84, %dma_start3A_85] : memref<2x2x128xi32, #tpu.memory_space<vmem>> -> memref<1x2x128xi32, #tpu.memory_space<vmem>>
        %dma_start3A_87 = tpu.memref_squeeze %dma_start3A_86 : memref<1x2x128xi32, #tpu.memory_space<vmem>> -> memref<2x128xi32, #tpu.memory_space<vmem>>
        %dma_start3A_88 = arith.constant 0 : i32
        %dma_start3A_89 = tpu.memref_slice %arg2[%mul3A_74, %dma_start3A_88] : memref<6250x128xi32, #tpu.memory_space<hbm>> -> memref<2x128xi32, #tpu.memory_space<hbm>>
        tpu.enqueue_dma source(%dma_start3A_89 : memref<2x128xi32, #tpu.memory_space<hbm>>) target(%dma_start3A_87 : memref<2x128xi32, #tpu.memory_space<vmem>>) target_semaphore(%dma_start3A_83 : memref<!tpu.dma_semaphore, #tpu.memory_space<semaphore_mem>>)
        %add3A_90 = arith.constant 16 : i32
        %add3A_91 = arith.addi %add3A_22, %add3A_90 : i32
        %mul3A_92 = arith.constant 256 : i32
        %mul3A_93 = arith.muli %add3A_91, %mul3A_92 : i32
        %mul3A_94 = arith.constant 32 : i32
        %mul3A_95 = arith.muli %arg0, %mul3A_94 : i32
        %dma_start3A_96 = arith.constant 1 : i32
        %dma_start3A_97 = arith.constant 1 : i32
        %dma_start3A_98 = arith.constant 0 : i32
        %dma_start3A_99 = arith.constant 0 : i32
        %dma_start3A_100 = tpu.memref_slice %arg7[%dma_start3A_96, %dma_start3A_98, %dma_start3A_99] : memref<2x256x32xf32, #tpu.memory_space<vmem>> -> memref<1x256x32xf32, #tpu.memory_space<vmem>>
        %dma_start3A_101 = tpu.memref_squeeze %dma_start3A_100 : memref<1x256x32xf32, #tpu.memory_space<vmem>> -> memref<256x32xf32, #tpu.memory_space<vmem>>
        %dma_start3A_102 = tpu.memref_slice %arg3[%mul3A_93, %mul3A_95] : memref<800000x64xf32, #tpu.memory_space<hbm>> -> memref<256x32xf32, #tpu.memory_space<hbm>>
        %dma_start3A_103 = tpu.memref_slice %arg10[%dma_start3A_97] : memref<2x!tpu.dma_semaphore, #tpu.memory_space<semaphore_mem>> -> memref<1x!tpu.dma_semaphore, #tpu.memory_space<semaphore_mem>>
        %dma_start3A_104 = tpu.memref_squeeze %dma_start3A_103 : memref<1x!tpu.dma_semaphore, #tpu.memory_space<semaphore_mem>> -> memref<!tpu.dma_semaphore, #tpu.memory_space<semaphore_mem>>
        %dma_start3A_105 = arith.constant 0 : i32
        %dma_start3A_106 = arith.constant 0 : i32
        %dma_start3A_107 = tpu.memref_slice %arg7[%dma_start3A_96, %dma_start3A_105, %dma_start3A_106] : memref<2x256x32xf32, #tpu.memory_space<vmem>> -> memref<1x256x32xf32, #tpu.memory_space<vmem>>
        %dma_start3A_108 = tpu.memref_squeeze %dma_start3A_107 : memref<1x256x32xf32, #tpu.memory_space<vmem>> -> memref<256x32xf32, #tpu.memory_space<vmem>>
        %dma_start3A_109 = tpu.memref_slice %arg3[%mul3A_93, %mul3A_95] : memref<800000x64xf32, #tpu.memory_space<hbm>> -> memref<256x32xf32, #tpu.memory_space<hbm>>
        tpu.enqueue_dma source(%dma_start3A_109 : memref<256x32xf32, #tpu.memory_space<hbm>>) target(%dma_start3A_108 : memref<256x32xf32, #tpu.memory_space<vmem>>) target_semaphore(%dma_start3A_104 : memref<!tpu.dma_semaphore, #tpu.memory_space<semaphore_mem>>)
      } else {
      }
      %lt3A_37 = arith.constant 3125 : i32
      %lt3A_38 = arith.cmpi slt, %add3A_22, %lt3A_37 : i32
      %convert_element_type3A_39 = arith.extui %lt3A_38 : i1 to i32
      %cond3A_40 = arith.constant 0 : i32
      %cond3A_41 = arith.cmpi ne, %convert_element_type3A_39, %cond3A_40 : i32
      scf.if %cond3A_41 {
        %mul3A_71 = arith.constant 2 : i32
        %mul3A_72 = arith.muli %add3A_22, %mul3A_71 : i32
        %dma_wait3A = arith.constant 0 : i32
        %dma_wait3A_73 = arith.constant 0 : i32
        %dma_wait3A_74 = arith.constant 0 : i32
        %dma_wait3A_75 = arith.constant 0 : i32
        %dma_wait3A_76 = tpu.memref_slice %arg6[%dma_wait3A, %dma_wait3A_74, %dma_wait3A_75] : memref<2x2x128xi32, #tpu.memory_space<vmem>> -> memref<1x2x128xi32, #tpu.memory_space<vmem>>
        %dma_wait3A_77 = tpu.memref_squeeze %dma_wait3A_76 : memref<1x2x128xi32, #tpu.memory_space<vmem>> -> memref<2x128xi32, #tpu.memory_space<vmem>>
        %dma_wait3A_78 = arith.constant 0 : i32
        %dma_wait3A_79 = tpu.memref_slice %arg2[%mul3A_72, %dma_wait3A_78] : memref<6250x128xi32, #tpu.memory_space<hbm>> -> memref<2x128xi32, #tpu.memory_space<hbm>>
        %dma_wait3A_80 = tpu.memref_slice %arg9[%dma_wait3A_73] : memref<2x!tpu.dma_semaphore, #tpu.memory_space<semaphore_mem>> -> memref<1x!tpu.dma_semaphore, #tpu.memory_space<semaphore_mem>>
        %dma_wait3A_81 = tpu.memref_squeeze %dma_wait3A_80 : memref<1x!tpu.dma_semaphore, #tpu.memory_space<semaphore_mem>> -> memref<!tpu.dma_semaphore, #tpu.memory_space<semaphore_mem>>
        %dma_wait3A_82 = arith.constant 0 : i32
        %dma_wait3A_83 = arith.constant 0 : i32
        %dma_wait3A_84 = tpu.memref_slice %arg6[%dma_wait3A, %dma_wait3A_82, %dma_wait3A_83] : memref<2x2x128xi32, #tpu.memory_space<vmem>> -> memref<1x2x128xi32, #tpu.memory_space<vmem>>
        %dma_wait3A_85 = tpu.memref_squeeze %dma_wait3A_84 : memref<1x2x128xi32, #tpu.memory_space<vmem>> -> memref<2x128xi32, #tpu.memory_space<vmem>>
        %dma_wait3A_86 = arith.constant 0 : i32
        %dma_wait3A_87 = tpu.memref_slice %arg2[%mul3A_72, %dma_wait3A_86] : memref<6250x128xi32, #tpu.memory_space<hbm>> -> memref<2x128xi32, #tpu.memory_space<hbm>>
        tpu.wait_dma2 semaphore(%dma_wait3A_81 : memref<!tpu.dma_semaphore, #tpu.memory_space<semaphore_mem>>) src(%dma_wait3A_87 : memref<2x128xi32, #tpu.memory_space<hbm>>) dst(%dma_wait3A_85 : memref<2x128xi32, #tpu.memory_space<vmem>>)
        %mul3A_88 = arith.constant 256 : i32
        %mul3A_89 = arith.muli %add3A_22, %mul3A_88 : i32
        %mul3A_90 = arith.constant 32 : i32
        %mul3A_91 = arith.muli %arg0, %mul3A_90 : i32
        %dma_wait3A_92 = arith.constant 0 : i32
        %dma_wait3A_93 = arith.constant 0 : i32
        %dma_wait3A_94 = arith.constant 0 : i32
        %dma_wait3A_95 = arith.constant 0 : i32
        %dma_wait3A_96 = tpu.memref_slice %arg7[%dma_wait3A_92, %dma_wait3A_94, %dma_wait3A_95] : memref<2x256x32xf32, #tpu.memory_space<vmem>> -> memref<1x256x32xf32, #tpu.memory_space<vmem>>
        %dma_wait3A_97 = tpu.memref_squeeze %dma_wait3A_96 : memref<1x256x32xf32, #tpu.memory_space<vmem>> -> memref<256x32xf32, #tpu.memory_space<vmem>>
        %dma_wait3A_98 = tpu.memref_slice %arg3[%mul3A_89, %mul3A_91] : memref<800000x64xf32, #tpu.memory_space<hbm>> -> memref<256x32xf32, #tpu.memory_space<hbm>>
        %dma_wait3A_99 = tpu.memref_slice %arg10[%dma_wait3A_93] : memref<2x!tpu.dma_semaphore, #tpu.memory_space<semaphore_mem>> -> memref<1x!tpu.dma_semaphore, #tpu.memory_space<semaphore_mem>>
        %dma_wait3A_100 = tpu.memref_squeeze %dma_wait3A_99 : memref<1x!tpu.dma_semaphore, #tpu.memory_space<semaphore_mem>> -> memref<!tpu.dma_semaphore, #tpu.memory_space<semaphore_mem>>
        %dma_wait3A_101 = arith.constant 0 : i32
        %dma_wait3A_102 = arith.constant 0 : i32
        %dma_wait3A_103 = tpu.memref_slice %arg7[%dma_wait3A_92, %dma_wait3A_101, %dma_wait3A_102] : memref<2x256x32xf32, #tpu.memory_space<vmem>> -> memref<1x256x32xf32, #tpu.memory_space<vmem>>
        %dma_wait3A_104 = tpu.memref_squeeze %dma_wait3A_103 : memref<1x256x32xf32, #tpu.memory_space<vmem>> -> memref<256x32xf32, #tpu.memory_space<vmem>>
        %dma_wait3A_105 = tpu.memref_slice %arg3[%mul3A_89, %mul3A_91] : memref<800000x64xf32, #tpu.memory_space<hbm>> -> memref<256x32xf32, #tpu.memory_space<hbm>>
        tpu.wait_dma2 semaphore(%dma_wait3A_100 : memref<!tpu.dma_semaphore, #tpu.memory_space<semaphore_mem>>) src(%dma_wait3A_105 : memref<256x32xf32, #tpu.memory_space<hbm>>) dst(%dma_wait3A_104 : memref<256x32xf32, #tpu.memory_space<vmem>>)
        %dma_start3A = arith.constant 0 : i32
        %dma_start3A_106 = arith.constant 0 : i32
        %dma_start3A_107 = arith.constant 0 : i32
        %dma_start3A_108 = arith.constant 0 : i32
        %dma_start3A_109 = arith.constant 0 : i32
        %dma_start3A_110 = arith.constant 0 : i32
        %dma_start3A_111 = tpu.memref_slice %arg7[%dma_start3A, %dma_start3A_109, %dma_start3A_110] : memref<2x256x32xf32, #tpu.memory_space<vmem>> -> memref<1x128x32xf32, #tpu.memory_space<vmem>>
        %dma_start3A_112 = tpu.memref_squeeze %dma_start3A_111 : memref<1x128x32xf32, #tpu.memory_space<vmem>> -> memref<128x32xf32, #tpu.memory_space<vmem>>
        %dma_start3A_113 = arith.constant 0 : i32
        %dma_start3A_114 = tpu.memref_slice %arg6[%dma_start3A_106, %dma_start3A_107, %dma_start3A_113] : memref<2x2x128xi32, #tpu.memory_space<vmem>> -> memref<1x1x128xi32, #tpu.memory_space<vmem>>
        %dma_start3A_115 = tpu.memref_squeeze %dma_start3A_114 : memref<1x1x128xi32, #tpu.memory_space<vmem>> -> memref<128xi32, #tpu.memory_space<vmem>>
        %dma_start3A_116 = arith.constant 0 : i32
        %dma_start3A_117 = arith.constant 0 : i32
        %dma_start3A_118 = tpu.memref_slice %arg8[%dma_start3A_116, %dma_start3A_117] : memref<50048x32xf32, #tpu.memory_space<vmem_shared>> -> memref<50048x32xf32, #tpu.memory_space<vmem_shared>>
        %dma_start3A_119 = tpu.memref_slice %arg11[%dma_start3A_108] : memref<2x!tpu.dma_semaphore, #tpu.memory_space<semaphore_mem>> -> memref<1x!tpu.dma_semaphore, #tpu.memory_space<semaphore_mem>>
        %dma_start3A_120 = tpu.memref_squeeze %dma_start3A_119 : memref<1x!tpu.dma_semaphore, #tpu.memory_space<semaphore_mem>> -> memref<!tpu.dma_semaphore, #tpu.memory_space<semaphore_mem>>
        tpu.enqueue_indirect_dma source(%dma_start3A_112 : memref<128x32xf32, #tpu.memory_space<vmem>>) target(%dma_start3A_118 : memref<50048x32xf32, #tpu.memory_space<vmem_shared>>) offsets(%dma_start3A_115 : memref<128xi32, #tpu.memory_space<vmem>>) semaphore(%dma_start3A_120 : memref<!tpu.dma_semaphore, #tpu.memory_space<semaphore_mem>>) {add = true}
        %dma_start3A_121 = arith.constant 0 : i32
        %dma_start3A_122 = arith.constant 0 : i32
        %dma_start3A_123 = arith.constant 1 : i32
        %dma_start3A_124 = arith.constant 0 : i32
        %dma_start3A_125 = arith.constant 128 : i32
        %dma_start3A_126 = arith.constant 0 : i32
        %dma_start3A_127 = tpu.memref_slice %arg7[%dma_start3A_121, %dma_start3A_125, %dma_start3A_126] : memref<2x256x32xf32, #tpu.memory_space<vmem>> -> memref<1x128x32xf32, #tpu.memory_space<vmem>>
        %dma_start3A_128 = tpu.memref_squeeze %dma_start3A_127 : memref<1x128x32xf32, #tpu.memory_space<vmem>> -> memref<128x32xf32, #tpu.memory_space<vmem>>
        %dma_start3A_129 = arith.constant 0 : i32
        %dma_start3A_130 = tpu.memref_slice %arg6[%dma_start3A_122, %dma_start3A_123, %dma_start3A_129] : memref<2x2x128xi32, #tpu.memory_space<vmem>> -> memref<1x1x128xi32, #tpu.memory_space<vmem>>
        %dma_start3A_131 = tpu.memref_squeeze %dma_start3A_130 : memref<1x1x128xi32, #tpu.memory_space<vmem>> -> memref<128xi32, #tpu.memory_space<vmem>>
        %dma_start3A_132 = arith.constant 0 : i32
        %dma_start3A_133 = arith.constant 0 : i32
        %dma_start3A_134 = tpu.memref_slice %arg8[%dma_start3A_132, %dma_start3A_133] : memref<50048x32xf32, #tpu.memory_space<vmem_shared>> -> memref<50048x32xf32, #tpu.memory_space<vmem_shared>>
        %dma_start3A_135 = tpu.memref_slice %arg11[%dma_start3A_124] : memref<2x!tpu.dma_semaphore, #tpu.memory_space<semaphore_mem>> -> memref<1x!tpu.dma_semaphore, #tpu.memory_space<semaphore_mem>>
        %dma_start3A_136 = tpu.memref_squeeze %dma_start3A_135 : memref<1x!tpu.dma_semaphore, #tpu.memory_space<semaphore_mem>> -> memref<!tpu.dma_semaphore, #tpu.memory_space<semaphore_mem>>
        tpu.enqueue_indirect_dma source(%dma_start3A_128 : memref<128x32xf32, #tpu.memory_space<vmem>>) target(%dma_start3A_134 : memref<50048x32xf32, #tpu.memory_space<vmem_shared>>) offsets(%dma_start3A_131 : memref<128xi32, #tpu.memory_space<vmem>>) semaphore(%dma_start3A_136 : memref<!tpu.dma_semaphore, #tpu.memory_space<semaphore_mem>>) {add = true}
      } else {
      }
      %mul3A_42 = arith.constant 2 : i32
      %mul3A_43 = arith.muli %scan3A_15, %mul3A_42 : i32
      %add3A_44 = arith.constant 1 : i32
      %add3A_45 = arith.addi %mul3A_43, %add3A_44 : i32
      %mul3A_46 = arith.constant 16 : i32
      %mul3A_47 = arith.muli %add3A_45, %mul3A_46 : i32
      %add3A_48 = arith.addi %arg1, %mul3A_47 : i32
      %ge3A_49 = arith.constant 1 : i32
      %ge3A_50 = arith.cmpi sge, %add3A_45, %ge3A_49 : i32
      %sub3A_51 = arith.constant 16 : i32
      %sub3A_52 = arith.subi %add3A_48, %sub3A_51 : i32
      %lt3A_53 = arith.constant 3125 : i32
      %lt3A_54 = arith.cmpi slt, %sub3A_52, %lt3A_53 : i32
      %and3A_55 = arith.andi %ge3A_50, %lt3A_54 : i1
      %convert_element_type3A_56 = arith.extui %and3A_55 : i1 to i32
      %cond3A_57 = arith.constant 0 : i32
      %cond3A_58 = arith.cmpi ne, %convert_element_type3A_56, %cond3A_57 : i32
      scf.if %cond3A_58 {
        %dma_wait3A = arith.constant 0 : i32
        %dma_wait3A_71 = arith.constant 0 : i32
        %dma_wait3A_72 = arith.constant 0 : i32
        %dma_wait3A_73 = arith.constant 0 : i32
        %dma_wait3A_74 = tpu.memref_slice %arg7[%dma_wait3A, %dma_wait3A_72, %dma_wait3A_73] : memref<2x256x32xf32, #tpu.memory_space<vmem>> -> memref<1x256x32xf32, #tpu.memory_space<vmem>>
        %dma_wait3A_75 = tpu.memref_squeeze %dma_wait3A_74 : memref<1x256x32xf32, #tpu.memory_space<vmem>> -> memref<256x32xf32, #tpu.memory_space<vmem>>
        %dma_wait3A_76 = arith.constant 0 : i32
        %dma_wait3A_77 = arith.constant 0 : i32
        %dma_wait3A_78 = tpu.memref_slice %arg8[%dma_wait3A_76, %dma_wait3A_77] : memref<50048x32xf32, #tpu.memory_space<vmem_shared>> -> memref<256x32xf32, #tpu.memory_space<vmem_shared>>
        %dma_wait3A_79 = tpu.memref_slice %arg11[%dma_wait3A_71] : memref<2x!tpu.dma_semaphore, #tpu.memory_space<semaphore_mem>> -> memref<1x!tpu.dma_semaphore, #tpu.memory_space<semaphore_mem>>
        %dma_wait3A_80 = tpu.memref_squeeze %dma_wait3A_79 : memref<1x!tpu.dma_semaphore, #tpu.memory_space<semaphore_mem>> -> memref<!tpu.dma_semaphore, #tpu.memory_space<semaphore_mem>>
        %dma_wait3A_81 = arith.constant 0 : i32
        %dma_wait3A_82 = arith.constant 0 : i32
        %dma_wait3A_83 = tpu.memref_slice %arg8[%dma_wait3A_81, %dma_wait3A_82] : memref<50048x32xf32, #tpu.memory_space<vmem_shared>> -> memref<256x32xf32, #tpu.memory_space<vmem_shared>>
        %dma_wait3A_84 = arith.constant 0 : i32
        %dma_wait3A_85 = arith.constant 0 : i32
        %dma_wait3A_86 = tpu.memref_slice %arg7[%dma_wait3A, %dma_wait3A_84, %dma_wait3A_85] : memref<2x256x32xf32, #tpu.memory_space<vmem>> -> memref<1x256x32xf32, #tpu.memory_space<vmem>>
        %dma_wait3A_87 = tpu.memref_squeeze %dma_wait3A_86 : memref<1x256x32xf32, #tpu.memory_space<vmem>> -> memref<256x32xf32, #tpu.memory_space<vmem>>
        tpu.wait_dma2 semaphore(%dma_wait3A_80 : memref<!tpu.dma_semaphore, #tpu.memory_space<semaphore_mem>>) src(%dma_wait3A_87 : memref<256x32xf32, #tpu.memory_space<vmem>>) dst(%dma_wait3A_83 : memref<256x32xf32, #tpu.memory_space<vmem_shared>>)
      } else {
      }
      %add3A_59 = arith.constant 16 : i32
      %add3A_60 = arith.addi %add3A_48, %add3A_59 : i32
      %lt3A_61 = arith.constant 3125 : i32
      %lt3A_62 = arith.cmpi slt, %add3A_60, %lt3A_61 : i32
      %convert_element_type3A_63 = arith.extui %lt3A_62 : i1 to i32
      %cond3A_64 = arith.constant 0 : i32
      %cond3A_65 = arith.cmpi ne, %convert_element_type3A_63, %cond3A_64 : i32
      scf.if %cond3A_65 {
        %add3A_71 = arith.constant 16 : i32
        %add3A_72 = arith.addi %add3A_48, %add3A_71 : i32
        %mul3A_73 = arith.constant 2 : i32
        %mul3A_74 = arith.muli %add3A_72, %mul3A_73 : i32
        %dma_start3A = arith.constant 0 : i32
        %dma_start3A_75 = arith.constant 0 : i32
        %dma_start3A_76 = arith.constant 0 : i32
        %dma_start3A_77 = arith.constant 0 : i32
        %dma_start3A_78 = tpu.memref_slice %arg6[%dma_start3A, %dma_start3A_76, %dma_start3A_77] : memref<2x2x128xi32, #tpu.memory_space<vmem>> -> memref<1x2x128xi32, #tpu.memory_space<vmem>>
        %dma_start3A_79 = tpu.memref_squeeze %dma_start3A_78 : memref<1x2x128xi32, #tpu.memory_space<vmem>> -> memref<2x128xi32, #tpu.memory_space<vmem>>
        %dma_start3A_80 = arith.constant 0 : i32
        %dma_start3A_81 = tpu.memref_slice %arg2[%mul3A_74, %dma_start3A_80] : memref<6250x128xi32, #tpu.memory_space<hbm>> -> memref<2x128xi32, #tpu.memory_space<hbm>>
        %dma_start3A_82 = tpu.memref_slice %arg9[%dma_start3A_75] : memref<2x!tpu.dma_semaphore, #tpu.memory_space<semaphore_mem>> -> memref<1x!tpu.dma_semaphore, #tpu.memory_space<semaphore_mem>>
        %dma_start3A_83 = tpu.memref_squeeze %dma_start3A_82 : memref<1x!tpu.dma_semaphore, #tpu.memory_space<semaphore_mem>> -> memref<!tpu.dma_semaphore, #tpu.memory_space<semaphore_mem>>
        %dma_start3A_84 = arith.constant 0 : i32
        %dma_start3A_85 = arith.constant 0 : i32
        %dma_start3A_86 = tpu.memref_slice %arg6[%dma_start3A, %dma_start3A_84, %dma_start3A_85] : memref<2x2x128xi32, #tpu.memory_space<vmem>> -> memref<1x2x128xi32, #tpu.memory_space<vmem>>
        %dma_start3A_87 = tpu.memref_squeeze %dma_start3A_86 : memref<1x2x128xi32, #tpu.memory_space<vmem>> -> memref<2x128xi32, #tpu.memory_space<vmem>>
        %dma_start3A_88 = arith.constant 0 : i32
        %dma_start3A_89 = tpu.memref_slice %arg2[%mul3A_74, %dma_start3A_88] : memref<6250x128xi32, #tpu.memory_space<hbm>> -> memref<2x128xi32, #tpu.memory_space<hbm>>
        tpu.enqueue_dma source(%dma_start3A_89 : memref<2x128xi32, #tpu.memory_space<hbm>>) target(%dma_start3A_87 : memref<2x128xi32, #tpu.memory_space<vmem>>) target_semaphore(%dma_start3A_83 : memref<!tpu.dma_semaphore, #tpu.memory_space<semaphore_mem>>)
        %add3A_90 = arith.constant 16 : i32
        %add3A_91 = arith.addi %add3A_48, %add3A_90 : i32
        %mul3A_92 = arith.constant 256 : i32
        %mul3A_93 = arith.muli %add3A_91, %mul3A_92 : i32
        %mul3A_94 = arith.constant 32 : i32
        %mul3A_95 = arith.muli %arg0, %mul3A_94 : i32
        %dma_start3A_96 = arith.constant 0 : i32
        %dma_start3A_97 = arith.constant 0 : i32
        %dma_start3A_98 = arith.constant 0 : i32
        %dma_start3A_99 = arith.constant 0 : i32
        %dma_start3A_100 = tpu.memref_slice %arg7[%dma_start3A_96, %dma_start3A_98, %dma_start3A_99] : memref<2x256x32xf32, #tpu.memory_space<vmem>> -> memref<1x256x32xf32, #tpu.memory_space<vmem>>
        %dma_start3A_101 = tpu.memref_squeeze %dma_start3A_100 : memref<1x256x32xf32, #tpu.memory_space<vmem>> -> memref<256x32xf32, #tpu.memory_space<vmem>>
        %dma_start3A_102 = tpu.memref_slice %arg3[%mul3A_93, %mul3A_95] : memref<800000x64xf32, #tpu.memory_space<hbm>> -> memref<256x32xf32, #tpu.memory_space<hbm>>
        %dma_start3A_103 = tpu.memref_slice %arg10[%dma_start3A_97] : memref<2x!tpu.dma_semaphore, #tpu.memory_space<semaphore_mem>> -> memref<1x!tpu.dma_semaphore, #tpu.memory_space<semaphore_mem>>
        %dma_start3A_104 = tpu.memref_squeeze %dma_start3A_103 : memref<1x!tpu.dma_semaphore, #tpu.memory_space<semaphore_mem>> -> memref<!tpu.dma_semaphore, #tpu.memory_space<semaphore_mem>>
        %dma_start3A_105 = arith.constant 0 : i32
        %dma_start3A_106 = arith.constant 0 : i32
        %dma_start3A_107 = tpu.memref_slice %arg7[%dma_start3A_96, %dma_start3A_105, %dma_start3A_106] : memref<2x256x32xf32, #tpu.memory_space<vmem>> -> memref<1x256x32xf32, #tpu.memory_space<vmem>>
        %dma_start3A_108 = tpu.memref_squeeze %dma_start3A_107 : memref<1x256x32xf32, #tpu.memory_space<vmem>> -> memref<256x32xf32, #tpu.memory_space<vmem>>
        %dma_start3A_109 = tpu.memref_slice %arg3[%mul3A_93, %mul3A_95] : memref<800000x64xf32, #tpu.memory_space<hbm>> -> memref<256x32xf32, #tpu.memory_space<hbm>>
        tpu.enqueue_dma source(%dma_start3A_109 : memref<256x32xf32, #tpu.memory_space<hbm>>) target(%dma_start3A_108 : memref<256x32xf32, #tpu.memory_space<vmem>>) target_semaphore(%dma_start3A_104 : memref<!tpu.dma_semaphore, #tpu.memory_space<semaphore_mem>>)
      } else {
      }
      %lt3A_66 = arith.constant 3125 : i32
      %lt3A_67 = arith.cmpi slt, %add3A_48, %lt3A_66 : i32
      %convert_element_type3A_68 = arith.extui %lt3A_67 : i1 to i32
      %cond3A_69 = arith.constant 0 : i32
      %cond3A_70 = arith.cmpi ne, %convert_element_type3A_68, %cond3A_69 : i32
      scf.if %cond3A_70 {
        %mul3A_71 = arith.constant 2 : i32
        %mul3A_72 = arith.muli %add3A_48, %mul3A_71 : i32
        %dma_wait3A = arith.constant 1 : i32
        %dma_wait3A_73 = arith.constant 1 : i32
        %dma_wait3A_74 = arith.constant 0 : i32
        %dma_wait3A_75 = arith.constant 0 : i32
        %dma_wait3A_76 = tpu.memref_slice %arg6[%dma_wait3A, %dma_wait3A_74, %dma_wait3A_75] : memref<2x2x128xi32, #tpu.memory_space<vmem>> -> memref<1x2x128xi32, #tpu.memory_space<vmem>>
        %dma_wait3A_77 = tpu.memref_squeeze %dma_wait3A_76 : memref<1x2x128xi32, #tpu.memory_space<vmem>> -> memref<2x128xi32, #tpu.memory_space<vmem>>
        %dma_wait3A_78 = arith.constant 0 : i32
        %dma_wait3A_79 = tpu.memref_slice %arg2[%mul3A_72, %dma_wait3A_78] : memref<6250x128xi32, #tpu.memory_space<hbm>> -> memref<2x128xi32, #tpu.memory_space<hbm>>
        %dma_wait3A_80 = tpu.memref_slice %arg9[%dma_wait3A_73] : memref<2x!tpu.dma_semaphore, #tpu.memory_space<semaphore_mem>> -> memref<1x!tpu.dma_semaphore, #tpu.memory_space<semaphore_mem>>
        %dma_wait3A_81 = tpu.memref_squeeze %dma_wait3A_80 : memref<1x!tpu.dma_semaphore, #tpu.memory_space<semaphore_mem>> -> memref<!tpu.dma_semaphore, #tpu.memory_space<semaphore_mem>>
        %dma_wait3A_82 = arith.constant 0 : i32
        %dma_wait3A_83 = arith.constant 0 : i32
        %dma_wait3A_84 = tpu.memref_slice %arg6[%dma_wait3A, %dma_wait3A_82, %dma_wait3A_83] : memref<2x2x128xi32, #tpu.memory_space<vmem>> -> memref<1x2x128xi32, #tpu.memory_space<vmem>>
        %dma_wait3A_85 = tpu.memref_squeeze %dma_wait3A_84 : memref<1x2x128xi32, #tpu.memory_space<vmem>> -> memref<2x128xi32, #tpu.memory_space<vmem>>
        %dma_wait3A_86 = arith.constant 0 : i32
        %dma_wait3A_87 = tpu.memref_slice %arg2[%mul3A_72, %dma_wait3A_86] : memref<6250x128xi32, #tpu.memory_space<hbm>> -> memref<2x128xi32, #tpu.memory_space<hbm>>
        tpu.wait_dma2 semaphore(%dma_wait3A_81 : memref<!tpu.dma_semaphore, #tpu.memory_space<semaphore_mem>>) src(%dma_wait3A_87 : memref<2x128xi32, #tpu.memory_space<hbm>>) dst(%dma_wait3A_85 : memref<2x128xi32, #tpu.memory_space<vmem>>)
        %mul3A_88 = arith.constant 256 : i32
        %mul3A_89 = arith.muli %add3A_48, %mul3A_88 : i32
        %mul3A_90 = arith.constant 32 : i32
        %mul3A_91 = arith.muli %arg0, %mul3A_90 : i32
        %dma_wait3A_92 = arith.constant 1 : i32
        %dma_wait3A_93 = arith.constant 1 : i32
        %dma_wait3A_94 = arith.constant 0 : i32
        %dma_wait3A_95 = arith.constant 0 : i32
        %dma_wait3A_96 = tpu.memref_slice %arg7[%dma_wait3A_92, %dma_wait3A_94, %dma_wait3A_95] : memref<2x256x32xf32, #tpu.memory_space<vmem>> -> memref<1x256x32xf32, #tpu.memory_space<vmem>>
        %dma_wait3A_97 = tpu.memref_squeeze %dma_wait3A_96 : memref<1x256x32xf32, #tpu.memory_space<vmem>> -> memref<256x32xf32, #tpu.memory_space<vmem>>
        %dma_wait3A_98 = tpu.memref_slice %arg3[%mul3A_89, %mul3A_91] : memref<800000x64xf32, #tpu.memory_space<hbm>> -> memref<256x32xf32, #tpu.memory_space<hbm>>
        %dma_wait3A_99 = tpu.memref_slice %arg10[%dma_wait3A_93] : memref<2x!tpu.dma_semaphore, #tpu.memory_space<semaphore_mem>> -> memref<1x!tpu.dma_semaphore, #tpu.memory_space<semaphore_mem>>
        %dma_wait3A_100 = tpu.memref_squeeze %dma_wait3A_99 : memref<1x!tpu.dma_semaphore, #tpu.memory_space<semaphore_mem>> -> memref<!tpu.dma_semaphore, #tpu.memory_space<semaphore_mem>>
        %dma_wait3A_101 = arith.constant 0 : i32
        %dma_wait3A_102 = arith.constant 0 : i32
        %dma_wait3A_103 = tpu.memref_slice %arg7[%dma_wait3A_92, %dma_wait3A_101, %dma_wait3A_102] : memref<2x256x32xf32, #tpu.memory_space<vmem>> -> memref<1x256x32xf32, #tpu.memory_space<vmem>>
        %dma_wait3A_104 = tpu.memref_squeeze %dma_wait3A_103 : memref<1x256x32xf32, #tpu.memory_space<vmem>> -> memref<256x32xf32, #tpu.memory_space<vmem>>
        %dma_wait3A_105 = tpu.memref_slice %arg3[%mul3A_89, %mul3A_91] : memref<800000x64xf32, #tpu.memory_space<hbm>> -> memref<256x32xf32, #tpu.memory_space<hbm>>
        tpu.wait_dma2 semaphore(%dma_wait3A_100 : memref<!tpu.dma_semaphore, #tpu.memory_space<semaphore_mem>>) src(%dma_wait3A_105 : memref<256x32xf32, #tpu.memory_space<hbm>>) dst(%dma_wait3A_104 : memref<256x32xf32, #tpu.memory_space<vmem>>)
        %dma_start3A = arith.constant 1 : i32
        %dma_start3A_106 = arith.constant 1 : i32
        %dma_start3A_107 = arith.constant 0 : i32
        %dma_start3A_108 = arith.constant 1 : i32
        %dma_start3A_109 = arith.constant 0 : i32
        %dma_start3A_110 = arith.constant 0 : i32
        %dma_start3A_111 = tpu.memref_slice %arg7[%dma_start3A, %dma_start3A_109, %dma_start3A_110] : memref<2x256x32xf32, #tpu.memory_space<vmem>> -> memref<1x128x32xf32, #tpu.memory_space<vmem>>
        %dma_start3A_112 = tpu.memref_squeeze %dma_start3A_111 : memref<1x128x32xf32, #tpu.memory_space<vmem>> -> memref<128x32xf32, #tpu.memory_space<vmem>>
        %dma_start3A_113 = arith.constant 0 : i32
        %dma_start3A_114 = tpu.memref_slice %arg6[%dma_start3A_106, %dma_start3A_107, %dma_start3A_113] : memref<2x2x128xi32, #tpu.memory_space<vmem>> -> memref<1x1x128xi32, #tpu.memory_space<vmem>>
        %dma_start3A_115 = tpu.memref_squeeze %dma_start3A_114 : memref<1x1x128xi32, #tpu.memory_space<vmem>> -> memref<128xi32, #tpu.memory_space<vmem>>
        %dma_start3A_116 = arith.constant 0 : i32
        %dma_start3A_117 = arith.constant 0 : i32
        %dma_start3A_118 = tpu.memref_slice %arg8[%dma_start3A_116, %dma_start3A_117] : memref<50048x32xf32, #tpu.memory_space<vmem_shared>> -> memref<50048x32xf32, #tpu.memory_space<vmem_shared>>
        %dma_start3A_119 = tpu.memref_slice %arg11[%dma_start3A_108] : memref<2x!tpu.dma_semaphore, #tpu.memory_space<semaphore_mem>> -> memref<1x!tpu.dma_semaphore, #tpu.memory_space<semaphore_mem>>
        %dma_start3A_120 = tpu.memref_squeeze %dma_start3A_119 : memref<1x!tpu.dma_semaphore, #tpu.memory_space<semaphore_mem>> -> memref<!tpu.dma_semaphore, #tpu.memory_space<semaphore_mem>>
        tpu.enqueue_indirect_dma source(%dma_start3A_112 : memref<128x32xf32, #tpu.memory_space<vmem>>) target(%dma_start3A_118 : memref<50048x32xf32, #tpu.memory_space<vmem_shared>>) offsets(%dma_start3A_115 : memref<128xi32, #tpu.memory_space<vmem>>) semaphore(%dma_start3A_120 : memref<!tpu.dma_semaphore, #tpu.memory_space<semaphore_mem>>) {add = true}
        %dma_start3A_121 = arith.constant 1 : i32
        %dma_start3A_122 = arith.constant 1 : i32
        %dma_start3A_123 = arith.constant 1 : i32
        %dma_start3A_124 = arith.constant 1 : i32
        %dma_start3A_125 = arith.constant 128 : i32
        %dma_start3A_126 = arith.constant 0 : i32
        %dma_start3A_127 = tpu.memref_slice %arg7[%dma_start3A_121, %dma_start3A_125, %dma_start3A_126] : memref<2x256x32xf32, #tpu.memory_space<vmem>> -> memref<1x128x32xf32, #tpu.memory_space<vmem>>
        %dma_start3A_128 = tpu.memref_squeeze %dma_start3A_127 : memref<1x128x32xf32, #tpu.memory_space<vmem>> -> memref<128x32xf32, #tpu.memory_space<vmem>>
        %dma_start3A_129 = arith.constant 0 : i32
        %dma_start3A_130 = tpu.memref_slice %arg6[%dma_start3A_122, %dma_start3A_123, %dma_start3A_129] : memref<2x2x128xi32, #tpu.memory_space<vmem>> -> memref<1x1x128xi32, #tpu.memory_space<vmem>>
        %dma_start3A_131 = tpu.memref_squeeze %dma_start3A_130 : memref<1x1x128xi32, #tpu.memory_space<vmem>> -> memref<128xi32, #tpu.memory_space<vmem>>
        %dma_start3A_132 = arith.constant 0 : i32
        %dma_start3A_133 = arith.constant 0 : i32
        %dma_start3A_134 = tpu.memref_slice %arg8[%dma_start3A_132, %dma_start3A_133] : memref<50048x32xf32, #tpu.memory_space<vmem_shared>> -> memref<50048x32xf32, #tpu.memory_space<vmem_shared>>
        %dma_start3A_135 = tpu.memref_slice %arg11[%dma_start3A_124] : memref<2x!tpu.dma_semaphore, #tpu.memory_space<semaphore_mem>> -> memref<1x!tpu.dma_semaphore, #tpu.memory_space<semaphore_mem>>
        %dma_start3A_136 = tpu.memref_squeeze %dma_start3A_135 : memref<1x!tpu.dma_semaphore, #tpu.memory_space<semaphore_mem>> -> memref<!tpu.dma_semaphore, #tpu.memory_space<semaphore_mem>>
        tpu.enqueue_indirect_dma source(%dma_start3A_128 : memref<128x32xf32, #tpu.memory_space<vmem>>) target(%dma_start3A_134 : memref<50048x32xf32, #tpu.memory_space<vmem_shared>>) offsets(%dma_start3A_131 : memref<128xi32, #tpu.memory_space<vmem>>) semaphore(%dma_start3A_136 : memref<!tpu.dma_semaphore, #tpu.memory_space<semaphore_mem>>) {add = true}
      } else {
      }
    }
    %scan3A_7 = arith.constant 98 : i32
    %add3A = arith.constant 3120 : i32
    %add3A_8 = arith.addi %arg1, %add3A : i32
    %lt3A_9 = arith.constant 3125 : i32
    %lt3A_10 = arith.cmpi slt, %add3A_8, %lt3A_9 : i32
    %convert_element_type3A_11 = arith.extui %lt3A_10 : i1 to i32
    %cond3A_12 = arith.constant 0 : i32
    %cond3A_13 = arith.cmpi ne, %convert_element_type3A_11, %cond3A_12 : i32
    scf.if %cond3A_13 {
      %dma_wait3A = arith.constant 1 : i32
      %dma_wait3A_15 = arith.constant 1 : i32
      %dma_wait3A_16 = arith.constant 0 : i32
      %dma_wait3A_17 = arith.constant 0 : i32
      %dma_wait3A_18 = tpu.memref_slice %arg7[%dma_wait3A, %dma_wait3A_16, %dma_wait3A_17] : memref<2x256x32xf32, #tpu.memory_space<vmem>> -> memref<1x256x32xf32, #tpu.memory_space<vmem>>
      %dma_wait3A_19 = tpu.memref_squeeze %dma_wait3A_18 : memref<1x256x32xf32, #tpu.memory_space<vmem>> -> memref<256x32xf32, #tpu.memory_space<vmem>>
      %dma_wait3A_20 = arith.constant 0 : i32
      %dma_wait3A_21 = arith.constant 0 : i32
      %dma_wait3A_22 = tpu.memref_slice %arg8[%dma_wait3A_20, %dma_wait3A_21] : memref<50048x32xf32, #tpu.memory_space<vmem_shared>> -> memref<256x32xf32, #tpu.memory_space<vmem_shared>>
      %dma_wait3A_23 = tpu.memref_slice %arg11[%dma_wait3A_15] : memref<2x!tpu.dma_semaphore, #tpu.memory_space<semaphore_mem>> -> memref<1x!tpu.dma_semaphore, #tpu.memory_space<semaphore_mem>>
      %dma_wait3A_24 = tpu.memref_squeeze %dma_wait3A_23 : memref<1x!tpu.dma_semaphore, #tpu.memory_space<semaphore_mem>> -> memref<!tpu.dma_semaphore, #tpu.memory_space<semaphore_mem>>
      %dma_wait3A_25 = arith.constant 0 : i32
      %dma_wait3A_26 = arith.constant 0 : i32
      %dma_wait3A_27 = tpu.memref_slice %arg8[%dma_wait3A_25, %dma_wait3A_26] : memref<50048x32xf32, #tpu.memory_space<vmem_shared>> -> memref<256x32xf32, #tpu.memory_space<vmem_shared>>
      %dma_wait3A_28 = arith.constant 0 : i32
      %dma_wait3A_29 = arith.constant 0 : i32
      %dma_wait3A_30 = tpu.memref_slice %arg7[%dma_wait3A, %dma_wait3A_28, %dma_wait3A_29] : memref<2x256x32xf32, #tpu.memory_space<vmem>> -> memref<1x256x32xf32, #tpu.memory_space<vmem>>
      %dma_wait3A_31 = tpu.memref_squeeze %dma_wait3A_30 : memref<1x256x32xf32, #tpu.memory_space<vmem>> -> memref<256x32xf32, #tpu.memory_space<vmem>>
      tpu.wait_dma2 semaphore(%dma_wait3A_24 : memref<!tpu.dma_semaphore, #tpu.memory_space<semaphore_mem>>) src(%dma_wait3A_31 : memref<256x32xf32, #tpu.memory_space<vmem>>) dst(%dma_wait3A_27 : memref<256x32xf32, #tpu.memory_space<vmem_shared>>)
    } else {
    }
    %barrier3A_14 = arith.constant 0 : index
    tpu.barrier barrier_id(%barrier3A_14)
    "tpu.region"() ({
      %run_scoped3A = tpu.sem_alloc : memref<!tpu.dma_semaphore, #tpu.memory_space<semaphore_mem>>
      %dma_start3A = arith.constant 0 : i32
      %dma_start3A_15 = tpu.memref_slice %arg5[%arg0, %mul3A_0, %dma_start3A] : memref<2x50048x32xf32, #tpu.memory_space<hbm>> -> memref<1x3128x32xf32, #tpu.memory_space<hbm>>
      %dma_start3A_16 = tpu.memref_squeeze %dma_start3A_15 : memref<1x3128x32xf32, #tpu.memory_space<hbm>> -> memref<3128x32xf32, #tpu.memory_space<hbm>>
      %dma_start3A_17 = arith.constant 0 : i32
      %dma_start3A_18 = tpu.memref_slice %arg8[%mul3A_0, %dma_start3A_17] : memref<50048x32xf32, #tpu.memory_space<vmem_shared>> -> memref<3128x32xf32, #tpu.memory_space<vmem_shared>>
      tpu.enqueue_dma source(%dma_start3A_18 : memref<3128x32xf32, #tpu.memory_space<vmem_shared>>) target(%dma_start3A_16 : memref<3128x32xf32, #tpu.memory_space<hbm>>) target_semaphore(%run_scoped3A : memref<!tpu.dma_semaphore, #tpu.memory_space<semaphore_mem>>)
      %dma_wait3A = arith.constant 0 : i32
      %dma_wait3A_19 = tpu.memref_slice %arg5[%arg0, %mul3A_0, %dma_wait3A] : memref<2x50048x32xf32, #tpu.memory_space<hbm>> -> memref<1x3128x32xf32, #tpu.memory_space<hbm>>
      %dma_wait3A_20 = tpu.memref_squeeze %dma_wait3A_19 : memref<1x3128x32xf32, #tpu.memory_space<hbm>> -> memref<3128x32xf32, #tpu.memory_space<hbm>>
      %dma_wait3A_21 = arith.constant 0 : i32
      %dma_wait3A_22 = tpu.memref_slice %arg8[%mul3A_0, %dma_wait3A_21] : memref<50048x32xf32, #tpu.memory_space<vmem_shared>> -> memref<3128x32xf32, #tpu.memory_space<vmem_shared>>
      tpu.wait_dma2 semaphore(%run_scoped3A : memref<!tpu.dma_semaphore, #tpu.memory_space<semaphore_mem>>) src(%dma_wait3A_22 : memref<3128x32xf32, #tpu.memory_space<vmem_shared>>) dst(%dma_wait3A_20 : memref<3128x32xf32, #tpu.memory_space<hbm>>)
      tpu.yield
    }) : () -> ()
    return
  }
}

module attributes {stable_mosaic.version = 14 : i64} {
  func.func @_msg_body(%arg0: i32, %arg1: memref<3x6400xf32, #tpu.memory_space<vmem>>, %arg2: memref<6400x64xf32, #tpu.memory_space<vmem>>, %arg3: memref<1x64xf32, #tpu.memory_space<vmem>>, %arg4: memref<64x64xf32, #tpu.memory_space<vmem>>, %arg5: memref<64x384xf32, #tpu.memory_space<vmem>>, %arg6: memref<64x384xf32, #tpu.memory_space<vmem>>, %arg7: memref<9x384xf32, #tpu.memory_space<vmem>>, %arg8: memref<1x384xf32, #tpu.memory_space<vmem>>, %arg9: memref<384x64xbf16, #tpu.memory_space<vmem>>, %arg10: memref<6400x64xf32, #tpu.memory_space<vmem>>) attributes {dimension_semantics = [#tpu.dimension_semantics<arbitrary>], iteration_bounds = array<i64: 125>, scalar_prefetch = 0 : i64, scratch_operands = 0 : i64, tpu.core_type = #tpu.core_type<tc>, window_params = [{transform_indices = @transform_0, window_bounds = array<i64: 3, 6400>}, {transform_indices = @transform_1, window_bounds = array<i64: 6400, 64>}, {pipeline_mode = #tpu.pipeline_mode<synchronous>, transform_indices = @transform_2, window_bounds = array<i64: 1, 64>}, {pipeline_mode = #tpu.pipeline_mode<synchronous>, transform_indices = @transform_3, window_bounds = array<i64: 64, 64>}, {pipeline_mode = #tpu.pipeline_mode<synchronous>, transform_indices = @transform_4, window_bounds = array<i64: 64, 384>}, {pipeline_mode = #tpu.pipeline_mode<synchronous>, transform_indices = @transform_5, window_bounds = array<i64: 64, 384>}, {pipeline_mode = #tpu.pipeline_mode<synchronous>, transform_indices = @transform_6, window_bounds = array<i64: 9, 384>}, {pipeline_mode = #tpu.pipeline_mode<synchronous>, transform_indices = @transform_7, window_bounds = array<i64: 1, 384>}, {pipeline_mode = #tpu.pipeline_mode<synchronous>, transform_indices = @transform_8, window_bounds = array<i64: 384, 64>}, {transform_indices = @transform_9, window_bounds = array<i64: 6400, 64>}]} {
    %get3A = arith.constant 0 : index
    %get3A_0 = arith.constant 0 : index
    %get3A_1 = vector.load %arg1[%get3A, %get3A_0] : memref<3x6400xf32, #tpu.memory_space<vmem>>, vector<3x6400xf32>
    %mul3A = arith.mulf %get3A_1, %get3A_1 : vector<3x6400xf32>
    %slice3A = vector.extract_strided_slice %mul3A {offsets = [0, 0], sizes = [1, 6400], strides = [1, 1]} : vector<3x6400xf32> to vector<1x6400xf32>
    %slice3A_2 = vector.extract_strided_slice %mul3A {offsets = [1, 0], sizes = [1, 6400], strides = [1, 1]} : vector<3x6400xf32> to vector<1x6400xf32>
    %add3A = arith.addf %slice3A, %slice3A_2 : vector<1x6400xf32>
    %slice3A_3 = vector.extract_strided_slice %mul3A {offsets = [2, 0], sizes = [1, 6400], strides = [1, 1]} : vector<3x6400xf32> to vector<1x6400xf32>
    %add3A_4 = arith.addf %add3A, %slice3A_3 : vector<1x6400xf32>
    %add3A_5 = arith.constant 9.99999996E-13 : f32
    %add3A_6 = vector.broadcast %add3A_5 : f32 to vector<1x6400xf32>
    %add3A_7 = arith.addf %add3A_4, %add3A_6 : vector<1x6400xf32>
    %sqrt3A = math.sqrt %add3A_7 : vector<1x6400xf32>
    %div3A = arith.constant 1.000000e+00 : f32
    %div3A_8 = vector.broadcast %div3A : f32 to vector<1x6400xf32>
    %div3A_9 = arith.divf %div3A_8, %sqrt3A : vector<1x6400xf32>
    %mul3A_10 = arith.mulf %div3A_9, %div3A_9 : vector<1x6400xf32>
    %mul3A_11 = vector.broadcast %div3A_9 : vector<1x6400xf32> to vector<3x6400xf32>
    %mul3A_12 = arith.mulf %get3A_1, %mul3A_11 : vector<3x6400xf32>
    %mul3A_13 = vector.broadcast %mul3A_10 : vector<1x6400xf32> to vector<3x6400xf32>
    %mul3A_14 = arith.mulf %mul3A, %mul3A_13 : vector<3x6400xf32>
    %slice3A_15 = vector.extract_strided_slice %mul3A_12 {offsets = [1, 0], sizes = [2, 6400], strides = [1, 1]} : vector<3x6400xf32> to vector<2x6400xf32>
    %slice3A_16 = vector.extract_strided_slice %mul3A_12 {offsets = [0, 0], sizes = [1, 6400], strides = [1, 1]} : vector<3x6400xf32> to vector<1x6400xf32>
    %concatenate3A = tpu.concatenate %slice3A_15, %slice3A_16 in 0 : vector<2x6400xf32>, vector<1x6400xf32> -> vector<3x6400xf32>
    %mul3A_17 = arith.mulf %mul3A_12, %concatenate3A : vector<3x6400xf32>
    %concatenate3A_18 = tpu.concatenate %mul3A_12, %mul3A_14, %mul3A_17 in 0 : vector<3x6400xf32>, vector<3x6400xf32>, vector<3x6400xf32> -> vector<9x6400xf32>
    %get3A_19 = arith.constant 0 : index
    %get3A_20 = arith.constant 0 : index
    %get3A_21 = vector.load %arg3[%get3A_19, %get3A_20] : memref<1x64xf32, #tpu.memory_space<vmem>>, vector<1x64xf32>
    %dot_general3A = arith.constant dense<0.000000e+00> : vector<6400x64xf32>
    %dot_general3A_22 = tpu.matmul %sqrt3A, %get3A_21, %dot_general3A {dimension_numbers = #tpu.dot_dimension_numbers<[0], [0], [1], [1], [0, 1, 1, 1], [], []>, transpose_lhs_hint = false} : vector<1x6400xf32>, vector<1x64xf32>, vector<6400x64xf32> -> vector<6400x64xf32>
    %logistic3A = arith.negf %dot_general3A_22 : vector<6400x64xf32>
    %logistic3A_23 = math.exp %logistic3A : vector<6400x64xf32>
    %logistic3A_24 = arith.constant 1.000000e+00 : f32
    %logistic3A_25 = vector.broadcast %logistic3A_24 : f32 to vector<6400x64xf32>
    %logistic3A_26 = arith.addf %logistic3A_25, %logistic3A_23 : vector<6400x64xf32>
    %logistic3A_27 = arith.divf %logistic3A_25, %logistic3A_26 : vector<6400x64xf32>
    %mul3A_28 = arith.mulf %dot_general3A_22, %logistic3A_27 : vector<6400x64xf32>
    %get3A_29 = arith.constant 0 : index
    %get3A_30 = arith.constant 0 : index
    %get3A_31 = vector.load %arg4[%get3A_29, %get3A_30] : memref<64x64xf32, #tpu.memory_space<vmem>>, vector<64x64xf32>
    %dot_general3A_32 = arith.constant dense<0.000000e+00> : vector<6400x64xf32>
    %dot_general3A_33 = tpu.matmul %mul3A_28, %get3A_31, %dot_general3A_32 {dimension_numbers = #tpu.dot_dimension_numbers<[1], [0], [0], [1], [0, 0, 1, 1], [], []>, transpose_lhs_hint = false} : vector<6400x64xf32>, vector<64x64xf32>, vector<6400x64xf32> -> vector<6400x64xf32>
    %logistic3A_34 = arith.negf %dot_general3A_33 : vector<6400x64xf32>
    %logistic3A_35 = math.exp %logistic3A_34 : vector<6400x64xf32>
    %logistic3A_36 = arith.constant 1.000000e+00 : f32
    %logistic3A_37 = vector.broadcast %logistic3A_36 : f32 to vector<6400x64xf32>
    %logistic3A_38 = arith.addf %logistic3A_37, %logistic3A_35 : vector<6400x64xf32>
    %logistic3A_39 = arith.divf %logistic3A_37, %logistic3A_38 : vector<6400x64xf32>
    %mul3A_40 = arith.mulf %dot_general3A_33, %logistic3A_39 : vector<6400x64xf32>
    %get3A_41 = arith.constant 0 : index
    %get3A_42 = arith.constant 0 : index
    %get3A_43 = vector.load %arg5[%get3A_41, %get3A_42] : memref<64x384xf32, #tpu.memory_space<vmem>>, vector<64x384xf32>
    %dot_general3A_44 = arith.constant dense<0.000000e+00> : vector<6400x384xf32>
    %dot_general3A_45 = tpu.matmul %mul3A_40, %get3A_43, %dot_general3A_44 {dimension_numbers = #tpu.dot_dimension_numbers<[1], [0], [0], [1], [0, 0, 1, 1], [], []>, transpose_lhs_hint = false} : vector<6400x64xf32>, vector<64x384xf32>, vector<6400x384xf32> -> vector<6400x384xf32>
    %get3A_46 = arith.constant 0 : index
    %get3A_47 = arith.constant 0 : index
    %get3A_48 = vector.load %arg2[%get3A_46, %get3A_47] : memref<6400x64xf32, #tpu.memory_space<vmem>>, vector<6400x64xf32>
    %get3A_49 = arith.constant 0 : index
    %get3A_50 = arith.constant 0 : index
    %get3A_51 = vector.load %arg6[%get3A_49, %get3A_50] : memref<64x384xf32, #tpu.memory_space<vmem>>, vector<64x384xf32>
    %dot_general3A_52 = arith.constant dense<0.000000e+00> : vector<6400x384xf32>
    %dot_general3A_53 = tpu.matmul %get3A_48, %get3A_51, %dot_general3A_52 {dimension_numbers = #tpu.dot_dimension_numbers<[1], [0], [0], [1], [0, 0, 1, 1], [], []>, transpose_lhs_hint = false} : vector<6400x64xf32>, vector<64x384xf32>, vector<6400x384xf32> -> vector<6400x384xf32>
    %get3A_54 = arith.constant 0 : index
    %get3A_55 = arith.constant 0 : index
    %get3A_56 = vector.load %arg7[%get3A_54, %get3A_55] : memref<9x384xf32, #tpu.memory_space<vmem>>, vector<9x384xf32>
    %dot_general3A_57 = arith.constant dense<0.000000e+00> : vector<6400x384xf32>
    %dot_general3A_58 = tpu.matmul %concatenate3A_18, %get3A_56, %dot_general3A_57 {dimension_numbers = #tpu.dot_dimension_numbers<[0], [0], [1], [1], [0, 1, 1, 1], [], []>, transpose_lhs_hint = false} : vector<9x6400xf32>, vector<9x384xf32>, vector<6400x384xf32> -> vector<6400x384xf32>
    %get3A_59 = arith.constant 0 : index
    %get3A_60 = arith.constant 0 : index
    %get3A_61 = vector.load %arg8[%get3A_59, %get3A_60] : memref<1x384xf32, #tpu.memory_space<vmem>>, vector<1x384xf32>
    %add3A_62 = vector.broadcast %get3A_61 : vector<1x384xf32> to vector<6400x384xf32>
    %add3A_63 = arith.addf %dot_general3A_58, %add3A_62 : vector<6400x384xf32>
    %mul3A_64 = arith.mulf %dot_general3A_53, %add3A_63 : vector<6400x384xf32>
    %mul3A_65 = arith.mulf %mul3A_64, %dot_general3A_45 : vector<6400x384xf32>
    %convert_element_type3A = arith.truncf %mul3A_65 : vector<6400x384xf32> to vector<6400x384xbf16>
    %get3A_66 = arith.constant 0 : index
    %get3A_67 = arith.constant 0 : index
    %get3A_68 = vector.load %arg9[%get3A_66, %get3A_67] : memref<384x64xbf16, #tpu.memory_space<vmem>>, vector<384x64xbf16>
    %dot_general3A_69 = arith.constant dense<0.000000e+00> : vector<6400x64xf32>
    %dot_general3A_70 = tpu.matmul %convert_element_type3A, %get3A_68, %dot_general3A_69 {dimension_numbers = #tpu.dot_dimension_numbers<[1], [0], [0], [1], [0, 0, 1, 1], [], []>, transpose_lhs_hint = false} : vector<6400x384xbf16>, vector<384x64xbf16>, vector<6400x64xf32> -> vector<6400x64xf32>
    %swap3A = arith.constant 0 : index
    %swap3A_71 = arith.constant 0 : index
    %swap3A_72 = vector.load %arg10[%swap3A, %swap3A_71] : memref<6400x64xf32, #tpu.memory_space<vmem>>, vector<6400x64xf32>
    tpu.vector_store %arg10[%swap3A, %swap3A_71], %dot_general3A_70 {strides = array<i32>} : memref<6400x64xf32, #tpu.memory_space<vmem>>, vector<6400x64xf32>,
    return
  }
  func.func @transform_0(%arg0: i32) -> (i32, i32) {
    %c0_i32 = arith.constant 0 : i32
    %c0_i32_0 = arith.constant 0 : i32
    return %c0_i32, %arg0 : i32, i32
  }
  func.func @transform_1(%arg0: i32) -> (i32, i32) {
    %c0_i32 = arith.constant 0 : i32
    %c0_i32_0 = arith.constant 0 : i32
    return %arg0, %c0_i32 : i32, i32
  }
  func.func @transform_2(%arg0: i32) -> (i32, i32) {
    %c0_i32 = arith.constant 0 : i32
    %c0_i32_0 = arith.constant 0 : i32
    %c0_i32_1 = arith.constant 0 : i32
    return %c0_i32, %c0_i32_0 : i32, i32
  }
  func.func @transform_3(%arg0: i32) -> (i32, i32) {
    %c0_i32 = arith.constant 0 : i32
    %c0_i32_0 = arith.constant 0 : i32
    %c0_i32_1 = arith.constant 0 : i32
    return %c0_i32, %c0_i32_0 : i32, i32
  }
  func.func @transform_4(%arg0: i32) -> (i32, i32) {
    %c0_i32 = arith.constant 0 : i32
    %c0_i32_0 = arith.constant 0 : i32
    %c0_i32_1 = arith.constant 0 : i32
    return %c0_i32, %c0_i32_0 : i32, i32
  }
  func.func @transform_5(%arg0: i32) -> (i32, i32) {
    %c0_i32 = arith.constant 0 : i32
    %c0_i32_0 = arith.constant 0 : i32
    %c0_i32_1 = arith.constant 0 : i32
    return %c0_i32, %c0_i32_0 : i32, i32
  }
  func.func @transform_6(%arg0: i32) -> (i32, i32) {
    %c0_i32 = arith.constant 0 : i32
    %c0_i32_0 = arith.constant 0 : i32
    %c0_i32_1 = arith.constant 0 : i32
    return %c0_i32, %c0_i32_0 : i32, i32
  }
  func.func @transform_7(%arg0: i32) -> (i32, i32) {
    %c0_i32 = arith.constant 0 : i32
    %c0_i32_0 = arith.constant 0 : i32
    %c0_i32_1 = arith.constant 0 : i32
    return %c0_i32, %c0_i32_0 : i32, i32
  }
  func.func @transform_8(%arg0: i32) -> (i32, i32) {
    %c0_i32 = arith.constant 0 : i32
    %c0_i32_0 = arith.constant 0 : i32
    %c0_i32_1 = arith.constant 0 : i32
    return %c0_i32, %c0_i32_0 : i32, i32
  }
  func.func @transform_9(%arg0: i32) -> (i32, i32) {
    %c0_i32 = arith.constant 0 : i32
    %c0_i32_0 = arith.constant 0 : i32
    return %arg0, %c0_i32 : i32, i32
  }
}

module attributes {stable_mosaic.version = 14 : i64} {
  func.func @_final_body(%arg0: i32, %arg1: memref<2x2000x32xf32, #tpu.memory_space<vmem>>, %arg2: memref<64x64xf32, #tpu.memory_space<vmem>>, %arg3: memref<2000x64xf32, #tpu.memory_space<vmem>>, %arg4: memref<2000x64xf32, #tpu.memory_space<vmem>>) attributes {dimension_semantics = [#tpu.dimension_semantics<arbitrary>], iteration_bounds = array<i64: 25>, scalar_prefetch = 0 : i64, scratch_operands = 0 : i64, tpu.core_type = #tpu.core_type<tc>, window_params = [{transform_indices = @transform_0, window_bounds = array<i64: 2, 2000, 32>}, {pipeline_mode = #tpu.pipeline_mode<synchronous>, transform_indices = @transform_1, window_bounds = array<i64: 64, 64>}, {transform_indices = @transform_2, window_bounds = array<i64: 2000, 64>}, {transform_indices = @transform_3, window_bounds = array<i64: 2000, 64>}]} {
    %get3A = arith.constant 0 : index
    %get3A_0 = arith.constant 0 : index
    %get3A_1 = vector.load %arg2[%get3A, %get3A_0] : memref<64x64xf32, #tpu.memory_space<vmem>>, vector<64x64xf32>
    %get3A_2 = arith.constant 0 : index
    %get3A_3 = arith.constant 0 : index
    %get3A_4 = arith.constant 0 : index
    %get3A_5 = vector.load %arg1[%get3A_2, %get3A_3, %get3A_4] : memref<2x2000x32xf32, #tpu.memory_space<vmem>>, vector<1x2000x32xf32>
    %get3A_6 = vector.shape_cast %get3A_5 : vector<1x2000x32xf32> to vector<2000x32xf32>
    %slice3A = vector.extract_strided_slice %get3A_1 {offsets = [0, 0], sizes = [32, 64], strides = [1, 1]} : vector<64x64xf32> to vector<32x64xf32>
    %dot_general3A = arith.constant dense<0.000000e+00> : vector<2000x64xf32>
    %dot_general3A_7 = tpu.matmul %get3A_6, %slice3A, %dot_general3A {dimension_numbers = #tpu.dot_dimension_numbers<[1], [0], [0], [1], [0, 0, 1, 1], [], []>, transpose_lhs_hint = false} : vector<2000x32xf32>, vector<32x64xf32>, vector<2000x64xf32> -> vector<2000x64xf32>
    %get3A_8 = arith.constant 1 : index
    %get3A_9 = arith.constant 0 : index
    %get3A_10 = arith.constant 0 : index
    %get3A_11 = vector.load %arg1[%get3A_8, %get3A_9, %get3A_10] : memref<2x2000x32xf32, #tpu.memory_space<vmem>>, vector<1x2000x32xf32>
    %get3A_12 = vector.shape_cast %get3A_11 : vector<1x2000x32xf32> to vector<2000x32xf32>
    %slice3A_13 = vector.extract_strided_slice %get3A_1 {offsets = [32, 0], sizes = [32, 64], strides = [1, 1]} : vector<64x64xf32> to vector<32x64xf32>
    %dot_general3A_14 = arith.constant dense<0.000000e+00> : vector<2000x64xf32>
    %dot_general3A_15 = tpu.matmul %get3A_12, %slice3A_13, %dot_general3A_14 {dimension_numbers = #tpu.dot_dimension_numbers<[1], [0], [0], [1], [0, 0, 1, 1], [], []>, transpose_lhs_hint = false} : vector<2000x32xf32>, vector<32x64xf32>, vector<2000x64xf32> -> vector<2000x64xf32>
    %add3A = arith.addf %dot_general3A_7, %dot_general3A_15 : vector<2000x64xf32>
    %get3A_16 = arith.constant 0 : index
    %get3A_17 = arith.constant 0 : index
    %get3A_18 = vector.load %arg3[%get3A_16, %get3A_17] : memref<2000x64xf32, #tpu.memory_space<vmem>>, vector<2000x64xf32>
    %add3A_19 = arith.addf %add3A, %get3A_18 : vector<2000x64xf32>
    %swap3A = arith.constant 0 : index
    %swap3A_20 = arith.constant 0 : index
    %swap3A_21 = vector.load %arg4[%swap3A, %swap3A_20] : memref<2000x64xf32, #tpu.memory_space<vmem>>, vector<2000x64xf32>
    tpu.vector_store %arg4[%swap3A, %swap3A_20], %add3A_19 {strides = array<i32>} : memref<2000x64xf32, #tpu.memory_space<vmem>>, vector<2000x64xf32>,
    return
  }
  func.func @transform_0(%arg0: i32) -> (i32, i32, i32) {
    %c0_i32 = arith.constant 0 : i32
    %c0_i32_0 = arith.constant 0 : i32
    %c0_i32_1 = arith.constant 0 : i32
    return %c0_i32, %arg0, %c0_i32_0 : i32, i32, i32
  }
  func.func @transform_1(%arg0: i32) -> (i32, i32) {
    %c0_i32 = arith.constant 0 : i32
    %c0_i32_0 = arith.constant 0 : i32
    %c0_i32_1 = arith.constant 0 : i32
    return %c0_i32, %c0_i32_0 : i32, i32
  }
  func.func @transform_2(%arg0: i32) -> (i32, i32) {
    %c0_i32 = arith.constant 0 : i32
    %c0_i32_0 = arith.constant 0 : i32
    return %arg0, %c0_i32 : i32, i32
  }
  func.func @transform_3(%arg0: i32) -> (i32, i32) {
    %c0_i32 = arith.constant 0 : i32
    %c0_i32_0 = arith.constant 0 : i32
    return %arg0, %c0_i32 : i32, i32
  }
}

</mosaic_0001>

<sc_bundles>
// kernel: kernel.6.cloned.1.call-start
scs
__scs_entry_jumppad:
0x0: {  	(pc) =	sbr.rel $0x88, $3  }
0x1: {  	(tag) =	ssettag $0x0;
	lr =	simm.s32 $0x1  }
0x2: {  	[smem:$0x3F99] =	sst lr;
	_ =	strace $0xD0000000  }
0x3: {  	_ = 	snop  }
0x4: {  	_ = 	snop  }
0x5: {  	_ = 	snop  }
0x6: {  	_ = 	snop  }
0x7: {  	_ = 	snop  }
__scs_overlays_trampoline_lowered:
0x8: {  	[smem:$0x3FA8] =	sst s0  }
0x9: {  	[smem:$0x3FA9] =	sst s1  }
0xa: {  	[smem:$0x3FAA] =	sst s2  }
0xb: {  	[smem:$0x3FAB] =	sst s3  }
0xc: {  	[smem:$0x3FAC] =	sst s4  }
0xd: {  	[smem:$0x3FAD] =	sst s5  }
0xe: {  	[smem:$0x3FAE] =	sst s6  }
0xf: {  	[smem:$0x3FAF] =	sst s7  }
0x10: {  	[smem:$0x3FB0] =	sst s8  }
0x11: {  	[smem:$0x3FB1] =	sst s9;
	s0 =	simm.s32 @!p0 $0x0  }
0x12: {  	s1 =	sld [smem:$0x3F97];
	s0 =	simm.s32 @p0 $0x1  }
0x13: {  	[smem:$0x3FB2] =	sst s0;
	s0 =	simm.s32 @!p1 $0x0  }
0x14: {  	s2 =	sld [smem:$0x3F96];
	s0 =	simm.s32 @p1 $0x1  }
0x15: {  	[smem:$0x3FB3] =	sst s0;
	s0 =	simm.s32 @!p2 $0x0  }
0x16: {  	s3 =	sld [smem:$0x3FDB];
	s0 =	simm.s32 @p2 $0x1  }
0x17: {  	s4 =	simm.s32 $0x1BF5;
	[smem:$0x3FB5] =	sst s0  }
0x18: {  	s0 =	sld [smem:$0x3F98];
	_ =	swait.ge [sflag:s4], $0x0  }
0x19: {  	s7 =	sld [smem:$0x3F99]  }
0x1a: {  	s8 =	sadd.s32 $0xFFFFE003, lr  }
0x1b: {  	s9 =	sadd.s32 $0xFFFFFEF7, lr;
	s5 =	simm.s32 $0xFFFFFFFF;
	p2 =	slt.u32 s8, $0xFFFFF086  }
0x1c: {  	p1 =	slt.u32 s9, $0xF7A;
	s5 =	simm.s32 @!p2 $0x0  }
0x1d: {  	s5 =	simm.s32 @p1 $0x1;
	p0 =	seq.s32 s7, s2  }
0x1e: {  	s7 =	smul.u32 @!p0 $0xF7A, s2;
	p2 =	seq.s32 @!p0 s5, $0x0  }
0x1f: {  	s9 =	smul.u32 $0xF7A, s1;
	s8 =	simm.s32 @!p0 $0x1BF5;
	p2 =	por !p2, p0  }
0x20: {  	[sflag:s8] =	ssyncset.s32 @!p0 $0xFFFFF086;
	s6 =	sadd.s32 @!p0 s3, s7;
	s7 =	simm.s32 @!p0 $0x108  }
0x21: {  	s3 =	sadd.s32 s3, s9;
	s6 =	sadd.s32 @!p0 $0x88, s6;
	s7 =	simm.s32 @p2 $0x1082  }
0x22: {  	[simem:s7], [sflag:s8] =	dma.local @!p0 [hbm:s6], $0xF7A  }
0x23: {  	s9 =	sor.u32 $0xD0000000, s2;
	s6 =	simm.s32 $0x108;
	_ =	swait.ge @!p0 [sflag:s8], $0x0  }
0x24: {  	s3 =	sadd.s32 $0x88, s3;
	s6 =	simm.s32 @!p1 $0x1082;
	[sflag:s4] =	ssyncset.s32 $0xFFFFF086  }
0x25: {  	[simem:s6], [sflag:s4] =	dma.local [hbm:s3], $0xF7A  }
0x26: {  	[smem:$0x3F99] =	sst s1;
	(tag) =	ssettag s2;
	_ =	strace s9  }
0x27: {  	s1 =	sld [smem:$0x3FA9]  }
0x28: {  	s2 =	sld [smem:$0x3FAA]  }
0x29: {  	s4 =	sld [smem:$0x3FAC]  }
0x2a: {  	p0 =	seq.s32 s5, $0x0;
	s5 =	sld [smem:$0x3FAD]  }
0x2b: {  	s6 =	sld [smem:$0x3FAE]  }
0x2c: {  	s7 =	sld [smem:$0x3FAF]  }
0x2d: {  	s3 =	simm.s32 $0x108;
	s8 =	sld [smem:$0x3FB0]  }
0x2e: {  	s3 =	simm.s32 @!p0 $0x1082;
	s9 =	sld [smem:$0x3FB1]  }
0x2f: {  	lr =	sadd.s32 s0, s3;
	s0 =	sld [smem:$0x3FA8]  }
0x30: {  	s3 =	sld [smem:$0x3FAB]  }
0x31: {  	[smem:$0x3FB4] =	sst s10  }
0x32: {  	s10 =	sld [smem:$0x3FB2];
	_ =	sdelay $0x3  }
0x33: {  	p0 =	seq.s32 s10, $0x1;
	s10 =	sld [smem:$0x3FB4];
	_ =	sdelay $0x3  }
0x34: {  	[smem:$0x3FB4] =	sst s10  }
0x35: {  	s10 =	sld [smem:$0x3FB3];
	_ =	sdelay $0x3  }
0x36: {  	p1 =	seq.s32 s10, $0x1;
	s10 =	sld [smem:$0x3FB4];
	_ =	sdelay $0x3  }
0x37: {  	[smem:$0x3FB4] =	sst s10  }
0x38: {  	s10 =	sld [smem:$0x3FB5]  }
0x39: {  	_ = 	snop;
	(pc) =	sbr.ind lr, $3  }
0x3a: {  	_ = 	snop  }
0x3b: {  	_ = 	snop  }
0x3c: {  	p2 =	seq.s32 s10, $0x1;
	s10 =	sld [smem:$0x3FB4]  }
0x3d: {  	_ =	shalt  }
0x3e: {  	_ =	shalt  }
0x3f: {  	_ =	shalt  }
0x40: {  	_ =	shalt  }
0x41: {  	_ =	shalt  }
0x42: {  	_ =	shalt  }
0x43: {  	_ =	shalt  }
0x44: {  	_ =	shalt  }
0x45: {  	_ =	shalt  }
0x46: {  	_ =	shalt  }
0x47: {  	_ =	shalt  }
0x48: {  	_ =	shalt  }
0x49: {  	_ =	shalt  }
0x4a: {  	_ =	shalt  }
0x4b: {  	_ =	shalt  }
0x4c: {  	_ =	shalt  }
0x4d: {  	_ =	shalt  }
0x4e: {  	_ =	shalt  }
0x4f: {  	_ =	shalt  }
0x50: {  	_ =	shalt  }
0x51: {  	_ =	shalt  }
0x52: {  	_ =	shalt  }
0x53: {  	_ =	shalt  }
0x54: {  	_ =	shalt  }
0x55: {  	_ =	shalt  }
0x56: {  	_ =	shalt  }
0x57: {  	_ =	shalt  }
0x58: {  	_ =	shalt  }
0x59: {  	_ =	shalt  }
0x5a: {  	_ =	shalt  }
0x5b: {  	_ =	shalt  }
0x5c: {  	_ =	shalt  }
0x5d: {  	_ =	shalt  }
0x5e: {  	_ =	shalt  }
0x5f: {  	_ =	shalt  }
0x60: {  	_ =	shalt  }
0x61: {  	_ =	shalt  }
0x62: {  	_ =	shalt  }
0x63: {  	_ =	shalt  }
0x64: {  	_ =	shalt  }
0x65: {  	_ =	shalt  }
0x66: {  	_ =	shalt  }
0x67: {  	_ =	shalt  }
0x68: {  	_ =	shalt  }
0x69: {  	_ =	shalt  }
0x6a: {  	_ =	shalt  }
0x6b: {  	_ =	shalt  }
0x6c: {  	_ =	shalt  }
0x6d: {  	_ =	shalt  }
0x6e: {  	_ =	shalt  }
0x6f: {  	_ =	shalt  }
0x70: {  	_ =	shalt  }
0x71: {  	_ =	shalt  }
0x72: {  	_ =	shalt  }
0x73: {  	_ =	shalt  }
0x74: {  	_ =	shalt  }
0x75: {  	_ =	shalt  }
0x76: {  	_ =	shalt  }
0x77: {  	_ =	shalt  }
0x78: {  	_ =	shalt  }
0x79: {  	_ =	shalt  }
0x7a: {  	_ =	shalt  }
0x7b: {  	_ =	shalt  }
0x7c: {  	_ =	shalt  }
0x7d: {  	_ =	shalt  }
0x7e: {  	_ =	shalt  }
0x7f: {  	_ =	shalt  }
0x80: {  	_ =	shalt  }
0x81: {  	_ =	shalt  }
0x82: {  	_ =	shalt  }
0x83: {  	_ =	shalt  }
0x84: {  	_ =	shalt  }
0x85: {  	_ =	shalt  }
0x86: {  	_ =	shalt  }
0x87: {  	_ =	shalt  }
.Lfunc_end0:
.L_simem_size_0:
called_computation_lowered:
.L_overlay_start_0:
0x88: {  	s2 =	sld [smem:$0x3FD9]  }
0x89: {  	s3 =	sld [smem:$0x3FFE];
	_ =	sdelay $0x1  }
0x8a: {  	s1 =	srdreg.scid  }
0x8b: {  	s0 =	sand.u32 $0x1, s1  }
0x8c: {  	s17 =	sshll.u32 s0, $0xA;
	s2 =	sadd.s32 s3, s2  }
0x8d: {  	s2 =	sadd.s32 s2, s17  }
0x8e: {  	[smem:$0x3FC0] =	sst s2  }
0x8f: {  	_ = 	snop  }
0x90: {  	s2 =	sld [smem:$0x3FD0];
	(tm) =	ssettm $0x1  }
0x91: {  	s18 =	sld [smem:$0x3FFB];
	_ =	sdelay $0x3  }
0x92: {  	_ =	strace s18  }
0x93: {  	s3 =	sld [smem:$0x3FFC];
	_ =	sdelay $0x3  }
0x94: {  	_ =	strace s3  }
0x95: {  	s3 =	sld [smem:$0x3FFD];
	_ =	sdelay $0x3  }
0x96: {  	_ =	strace s3  }
0x97: {  	_ =	strace $0x8FFFFFFF  }
0x98: {  	s19 =	sld [smem:$0x3FDB];
	_ =	sdelay $0x1  }
0x99: {  	s4 =	simm.s32 $_scs_section_size  }
0x9a: {  	s5 =	simm.s32 $_size__tile_overlayer_lowered;
	s6 =	simm.s32 $_tile_overlayer_lowered  }
0x9b: {  	s22 =	simm.s32 $0x1BFF;
	s21 =	sshll.u32 s6, $0x1;
	s3 =	sadd.s32 s4, s19  }
0x9c: {  	s7 =	simm.s32 $0x0;
	s20 =	sshll.u32 s5, $0x1;
	s5 =	sadd.s32 s21, s3  }
0x9d: {  	[timem:s7], [sflag:s22] =	dma.local [hbm:s5], s20  }
0x9e: {  	_ =	swait.ge [sflag:s22], s20  }
0x9f: {  	s4 =	ssub.s32 $0x0, s20;
	[sflag:s22] =	ssyncset.done $0x0  }
0xa0: {  	[sflag:s22] =	ssyncadd.s32 s4;
	_ =	sdelay $0x1  }
0xa1: {  	s23 =	simm.s32 $0x1B8B  }
0xa2: {  	_ =	swait.ge [sflag:s23], $0x1  }
0xa3: {  	[sflag:s23] =	ssyncset.done $0x0  }
0xa4: {  	s25 =	simm.s32 $0x1B8E;
	s24 =	sld [smem:$0x3FFE];
	[sflag:s23] =	ssyncadd.s32 $0xFFFFFFFF  }
0xa5: {  	s26 =	simm.s32 $execute0_lowered;
	[smem:$0x3FD2] =	sst s25  }
0xa6: {  	s5 =	sshll.u32 s26, $0x1;
	_ =	strace $0x80000046;
	[dreg:$0x1] =	wrdreg $0xFFFFFFFF  }
0xa7: {  	s28 =	simm.s32 $_size_execute0_lowered;
	s3 =	sadd.s32 s3, s5;
	[dreg:$0x0] =	wrdreg $0x0  }
0xa8: {  	s5 =	sshll.u32 s28, $0x1;
	[dreg:$0x2] =	wrdreg s3  }
0xa9: {  	[dreg:$0x3] =	wrdreg s5  }
0xaa: {  	[dreg:$0x4] =	wrdreg $0xC0  }
0xab: {  	_ =	task [dreg:s7], $0x5FFFF  }
0xac: {  	[dreg:$0x1] =	wrdreg $0xFFFFFFFF  }
0xad: {  	[dreg:$0x0] =	wrdreg $0x60  }
0xae: {  	[dreg:$0x2] =	wrdreg s2  }
0xaf: {  	[dreg:$0x3] =	wrdreg s24  }
0xb0: {  	[dreg:$0x4] =	wrdreg $0x9  }
0xb1: {  	_ =	task.clear_ibuf [dreg:s7], $0x5FFFF;
	_ =	strace $0x90000046  }
0xb2: {  	s29 =	simm.s32 $0x9;
	_ =	strace $0x80000048  }
0xb3: {  	_ =	swait.ge [sflag:s29], $0x1  }
0xb4: {  	[sflag:s29] =	ssyncadd.s32 $0xFFFFFFFF  }
0xb5: {  	_ =	strace $0x90000048  }
0xb6: {  	_ =	sfence  }
0xb7: {  	s30 =	sld [smem:$0x0];
	_ =	sdelay $0x2  }
0xb8: {  	s31 =	sshll.u32 s1, $0xD;
	s1 =	sshrl.u32 s1, $0x2  }
0xb9: {  	s3 =	sand.u32 $0x4000, s31;
	s1 =	sadd.s32 s1, s30  }
0xba: {  	s0 =	sor.u32 s3, s0;
	s1 =	sshll.u32 s1, $0x11  }
0xbb: {  	s0 =	sor.u32 s1, s0  }
0xbc: {  	s0 =	sadd.s32 $0x8F2B, s0  }
0xbd: {  	[sflag:s0] =	ssyncadd.remote.s32 $0x1  }
0xbe: {  	_ =	sfence.sel $0xFFFF  }
0xbf: {  	[dreg:$0x0] =	wrdreg $0xFFFFFFFF;
	(pc) =	sbr.abs _section_cstart, $3  }
0xc0: {  	[dreg:$0x1] =	wrdreg $0xFFFFFFFF  }
0xc1: {  	_ =	task.clear_ibuf [dreg:s7], $0x2FFFF;
	_ =	strace $0x9FFFFFFF  }
0xc2: {  	(tm) =	ssettm $0x7FFFFFFF  }
0xc3: {  	_ =	shalt  }
tec
execute0_lowered:
.L_overlay_start_1:
0x0: {  	(tag) =	ssettag $0x1  }
0x1: {  	s0 =	srdreg.scid  }
0x2: {  	s3 =	stileid.u32;
	s1 =	rddreg [dreg:$0x0]  }
0x3: {  	s5 =	rddreg [dreg:$0x1];
	s15 =	simm.s32 $0x80;
	s14 =	smul.u32 $0x2800, s3  }
0x4: {  	s16 =	simm.s32 $0x500;
	s17 =	simm.s32 $0x2500;
	s22 =	smul.u32 $0x500, s3  }
0x5: {  	s18 =	simm.s32 $0x100;
	s0 =	sand.u32 $0x1, s0;
	s25 =	smul.u32 $0xA0, s3  }
0x6: {  	s19 =	simm.s32 $0x4500;
	s20 =	simm.s32 $0x180;
	s21 =	smul.u32 $0x1400, s0  }
0x7: {  	s28 =	simm.s32 $0x6;
	s2 =	sshll.u32 s3, $0x1;
	s24 =	smul.u32 $0x280, s0  }
0x8: {  	s4 =	sor.u32 s0, s2;
	s12 =	ssub.s32 $0x2, s0;
	s0 =	smul.u32 $0x50, s0  }
0x9: {  	s29 =	simm.s32 $0x0;
	s11 =	sadd.s32 $0x1A00, s5;
	s6 =	smul.u32 $0x50, s4  }
0xa: {  	s5 =	sadd.s32 $0xF6000, s5;
	s7 =	sor.u32 $0x20, s4;
	s9 =	smul.u32 $0x1400, s4  }
0xb: {  	p0 =	sne.s32 s3, $0x0;
	s2 =	simm.s32 $0x0;
	s8 =	smul.u32 $0x50, s7  }
0xc: {  	[smem:$0x7FF] =	sst s2;
	s13 =	sshrl.u32 s12, $0x1;
	s10 =	smul.u32 $0x280, s7  }
0xd: {  	s31 =	sor.u32 $0x60, s4;
	_ =	strace $0x80000047;
	s7 =	smul.u32 $0x1400, s7  }
0xe: {  	s12 =	ssub.s32 s12, s13;
	s26 =	sadd.s32 s24, s22;
	[dreg:$0xb] =	wrdreg s31  }
0xf: {  	s22 =	simm.s32 $0x200;
	s24 =	simm.s32 $0x3;
	s6 =	sadd.s32 s11, s6  }
0x10: {  	s12 =	smax.u32 s12, $0x1;
	s9 =	sadd.s32 s5, s9;
	[dreg:$0x3] =	wrdreg s6  }
0x11: {  	[dreg:$0x4] =	wrdreg s12;
	s10 =	sshrl.u32 s10, $0x3;
	s8 =	sadd.s32 s11, s8  }
0x12: {  	[dreg:$0x6] =	wrdreg s9;
	s7 =	sadd.s32 s5, s7;
	s5 =	sadd.s32 s14, s5  }
0x13: {  	s14 =	simm.s32 $0x1;
	[dreg:$0x5] =	wrdreg s8;
	s23 =	sadd.s32 s11, s10  }
0x14: {  	[dreg:$0x8] =	wrdreg s7;
	s7 =	sadd.s32 $0x14000, s26;
	s8 =	sadd.s32 $0xA00, s23  }
0x15: {  	s30 =	sshrl.u32 s7, $0x3;
	[dreg:$0x7] =	wrdreg s8;
	s8 =	sadd.s32 s25, s11  }
0x16: {  	s9 =	sadd.s32 s21, s5;
	s5 =	sadd.s32 s30, s11;
	s0 =	sadd.s32 s0, s8  }
0x17: {  	s21 =	simm.s32 $0x6500;
	[dreg:$0x9] =	wrdreg s5;
	s0 =	sadd.s32 $0x1E00, s0  }
0x18: {  	s23 =	simm.s32 $0x8500;
	[dreg:$0xa] =	wrdreg s0;
	s0 =	simm.s32 $0x5  }
.LBB2_1:
0x19: {  	s3 =	rddreg [dreg:$0x3]  }
0x1a: {  	[tilespmem:s2], [sflag:$0x1] =	stream.linear.gather [hbm4b:s3+s2], $0x280, $0x38;
	[tilespmem:$0x14500] =	vst v63  }
0x1b: {  	s10 =	rddreg [dreg:$0x5];
	s4 =	simm.s32 $0x280  }
0x1c: {  	[tilespmem:s4], [sflag:$0x2] =	stream.linear.gather [hbm4b:s10+s2], $0x280, $0x38;
	[tilespmem:$0x14500] =	vst v63  }
0x1d: {  	_ =	swait.ge [sflag:s14], $0x280  }
0x1e: {  	[sflag:s14] =	ssyncset.done $0x0  }
0x1f: {  	[sflag:s14] =	ssyncadd.s32 $0xFFFFFD80  }
0x20: {  	[tilespmem:s16], [sflag:$0x3] =	stream.indirect.gather [hbm4b:s1+s15], $0x40, s2, s15, $0xb8;
	[tilespmem:$0x14500] =	vst v63  }
0x21: {  	_ = 	snop  }
0x22: {  	[tilespmem:s17], [sflag:$0x3] =	stream.indirect.gather [hbm4b:s1+s15], $0x40, s15, s15, $0xb8;
	[tilespmem:$0x14500] =	vst v63  }
0x23: {  	_ = 	snop  }
0x24: {  	[tilespmem:s19], [sflag:$0x3] =	stream.indirect.gather [hbm4b:s1+s15], $0x40, s18, s15, $0xb8;
	[tilespmem:$0x14500] =	vst v63  }
0x25: {  	_ = 	snop  }
0x26: {  	[tilespmem:s21], [sflag:$0x3] =	stream.indirect.gather [hbm4b:s1+s15], $0x40, s20, s15, $0xb8;
	[tilespmem:$0x14500] =	vst v63  }
0x27: {  	_ = 	snop  }
0x28: {  	[tilespmem:s23], [sflag:$0x3] =	stream.indirect.gather [hbm4b:s1+s15], $0x40, s22, s15, $0xb8;
	[tilespmem:$0x14500] =	vst v63  }
0x29: {  	_ =	swait.ge [sflag:s24], $0xA000  }
0x2a: {  	[sflag:s24] =	ssyncset.done $0x0  }
0x2b: {  	s11 =	rddreg [dreg:$0x6];
	[sflag:s24] =	ssyncadd.s32 $0xFFFF6000  }
0x2c: {  	[hbm4b:s11+s2] =	stream.linear.scatter [tilespmem:s16], [sflag:$0x5], $0xA000, $0x38;
	[tilespmem:$0x14500] =	vst v63  }
0x2d: {  	s13 =	simm.s32 $0x2;
	s12 =	rddreg [dreg:$0x7]  }
0x2e: {  	[tilespmem:s2], [sflag:$0x1] =	stream.linear.gather [hbm4b:s12+s2], $0x280, $0x38;
	[tilespmem:$0x14500] =	vst v63  }
0x2f: {  	_ =	swait.ge [sflag:s13], $0x280  }
0x30: {  	[sflag:s13] =	ssyncset.done $0x0  }
0x31: {  	s5 =	simm.s32 $0xA500;
	[sflag:s13] =	ssyncadd.s32 $0xFFFFFD80  }
0x32: {  	[tilespmem:s5], [sflag:$0x4] =	stream.indirect.gather [hbm4b:s1+s15], $0x40, s4, s15, $0xb8;
	[tilespmem:$0x14500] =	vst v63  }
0x33: {  	s25 =	simm.s32 $0x300;
	s26 =	simm.s32 $0xC500  }
0x34: {  	[tilespmem:s26], [sflag:$0x4] =	stream.indirect.gather [hbm4b:s1+s15], $0x40, s25, s15, $0xb8;
	[tilespmem:$0x14500] =	vst v63  }
0x35: {  	s6 =	simm.s32 $0x380;
	s7 =	simm.s32 $0xE500  }
0x36: {  	[tilespmem:s7], [sflag:$0x4] =	stream.indirect.gather [hbm4b:s1+s15], $0x40, s6, s15, $0xb8;
	[tilespmem:$0x14500] =	vst v63  }
0x37: {  	s8 =	simm.s32 $0x400;
	s10 =	simm.s32 $0x10500  }
0x38: {  	[tilespmem:s10], [sflag:$0x4] =	stream.indirect.gather [hbm4b:s1+s15], $0x40, s8, s15, $0xb8;
	[tilespmem:$0x14500] =	vst v63  }
0x39: {  	s11 =	simm.s32 $0x480;
	s12 =	simm.s32 $0x12500;
	s13 =	simm.s32 $0x4  }
0x3a: {  	[tilespmem:s12], [sflag:$0x4] =	stream.indirect.gather [hbm4b:s1+s15], $0x40, s11, s15, $0xb8;
	[tilespmem:$0x14500] =	vst v63  }
0x3b: {  	_ =	swait.ge [sflag:s13], $0xA000  }
0x3c: {  	[sflag:s13] =	ssyncset.done $0x0;
	s12 =	rddreg [dreg:$0xb]  }
0x3d: {  	s25 =	rddreg [dreg:$0x8];
	[sflag:s13] =	ssyncadd.s32 $0xFFFF6000;
	p2 =	sgt.u32 s12, $0x4E1  }
0x3e: {  	[hbm4b:s25+s2] =	stream.linear.scatter [tilespmem:s5], [sflag:$0x6], $0xA000, $0x38;
	[tilespmem:$0x14500] =	vst v63  }
0x3f: {  	p1 =	por p2, p2  }
0x40: {  	s11 =	rddreg [dreg:$0xa];
	s30 =	simm.s32 @!p1 $0x0;
	s4 =	simm.s32 @!p1 $0x280  }
0x41: {  	[tilespmem:s4], [sflag:$0x2] =	stream.linear.gather @!p1 [hbm4b:s11+s30], $0x280, $0x38;
	[tilespmem:$0x14500] =	vst v63  }
0x42: {  	_ =	swait.ge [sflag:s0], $0xA000  }
0x43: {  	[sflag:s0] =	ssyncset.done $0x0  }
0x44: {  	[sflag:s0] =	ssyncadd.s32 $0xFFFF6000  }
0x45: {  	_ =	swait.ge [sflag:s14], $0x280  }
0x46: {  	[sflag:s14] =	ssyncset.done $0x0  }
0x47: {  	[sflag:s14] =	ssyncadd.s32 $0xFFFFFD80  }
0x48: {  	[tilespmem:s16], [sflag:$0x3] =	stream.indirect.gather [hbm4b:s1+s15], $0x40, s2, s15, $0xb8;
	[tilespmem:$0x14500] =	vst v63  }
0x49: {  	_ = 	snop  }
0x4a: {  	[tilespmem:s17], [sflag:$0x3] =	stream.indirect.gather [hbm4b:s1+s15], $0x40, s15, s15, $0xb8;
	[tilespmem:$0x14500] =	vst v63  }
0x4b: {  	_ = 	snop  }
0x4c: {  	[tilespmem:s19], [sflag:$0x3] =	stream.indirect.gather [hbm4b:s1+s15], $0x40, s18, s15, $0xb8;
	[tilespmem:$0x14500] =	vst v63  }
0x4d: {  	_ = 	snop  }
0x4e: {  	[tilespmem:s21], [sflag:$0x3] =	stream.indirect.gather [hbm4b:s1+s15], $0x40, s20, s15, $0xb8;
	[tilespmem:$0x14500] =	vst v63  }
0x4f: {  	_ = 	snop  }
0x50: {  	[tilespmem:s23], [sflag:$0x3] =	stream.indirect.gather [hbm4b:s1+s15], $0x40, s22, s15, $0xb8;
	[tilespmem:$0x14500] =	vst v63  }
0x51: {  	_ =	swait.ge [sflag:s24], $0xA000  }
0x52: {  	s26 =	sadd.s32 $0x0, s9;
	[sflag:s24] =	ssyncset.done $0x0  }
0x53: {  	s3 =	sadd.s32 $0x50000, s26;
	p3 =	sgt.u32 s12, $0x4C1;
	[sflag:s24] =	ssyncadd.s32 $0xFFFF6000  }
0x54: {  	[hbm4b:s3+s2] =	stream.linear.scatter [tilespmem:s16], [sflag:$0x5], $0xA000, $0x38;
	[tilespmem:$0x14500] =	vst v63  }
0x55: {  	s10 =	rddreg [dreg:$0x9];
	s3 =	simm.s32 @!p3 $0x0  }
0x56: {  	[tilespmem:s3], [sflag:$0x1] =	stream.linear.gather @!p3 [hbm4b:s10+s3], $0x280, $0x38;
	[tilespmem:$0x14500] =	vst v63  }
0x57: {  	_ =	swait.ge [sflag:s28], $0xA000  }
0x58: {  	[sflag:s28] =	ssyncset.done $0x0  }
0x59: {  	s5 =	simm.s32 @!p1 $0x2;
	[sflag:s28] =	ssyncadd.s32 $0xFFFF6000  }
0x5a: {  	_ =	swait.ge @!p1 [sflag:s5], $0x280  }
0x5b: {  	s6 =	sadd.s32 @!p2 $0x0, s9;
	s8 =	simm.s32 @!p1 $0x80;
	[sflag:s5] =	ssyncset.done @!p1 $0x0  }
0x5c: {  	s31 =	simm.s32 @!p1 $0xA500;
	s7 =	sadd.s32 @!p2 $0x78000, s6;
	[sflag:s5] =	ssyncadd.s32 @!p1 $0xFFFFFD80  }
0x5d: {  	[tilespmem:s31], [sflag:$0x4] =	stream.indirect.gather @!p1 [hbm4b:s1+s8], $0x40, s4, s8, $0xb8;
	[tilespmem:$0x14500] =	vst v63  }
0x5e: {  	s6 =	simm.s32 @!p1 $0xE500;
	s5 =	simm.s32 @!p1 $0xC500;
	s4 =	simm.s32 @!p1 $0x300  }
0x5f: {  	[tilespmem:s5], [sflag:$0x4] =	stream.indirect.gather @!p1 [hbm4b:s1+s8], $0x40, s4, s8, $0xb8;
	[tilespmem:$0x14500] =	vst v63  }
0x60: {  	s13 =	simm.s32 @!p1 $0x12500;
	s3 =	simm.s32 $0x50000;
	s4 =	simm.s32 @!p1 $0x380  }
0x61: {  	[tilespmem:s6], [sflag:$0x4] =	stream.indirect.gather @!p1 [hbm4b:s1+s8], $0x40, s4, s8, $0xb8;
	[tilespmem:$0x14500] =	vst v63  }
0x62: {  	s5 =	sadd.s32 $0x40, s12;
	s4 =	simm.s32 @!p1 $0x400;
	s6 =	simm.s32 @!p1 $0x10500  }
0x63: {  	[tilespmem:s6], [sflag:$0x4] =	stream.indirect.gather @!p1 [hbm4b:s1+s8], $0x40, s4, s8, $0xb8;
	[tilespmem:$0x14500] =	vst v63  }
0x64: {  	p2 =	sgt.u32 s5, $0x4E1;
	s6 =	simm.s32 @!p1 $0x4;
	s4 =	simm.s32 @!p1 $0x480  }
0x65: {  	[tilespmem:s13], [sflag:$0x4] =	stream.indirect.gather @!p1 [hbm4b:s1+s8], $0x40, s4, s8, $0xb8;
	[tilespmem:$0x14500] =	vst v63  }
0x66: {  	s26 =	sadd.s32 $0x40, s5;
	s4 =	sadd.s32 @!p2 $0x50000, s9;
	_ =	swait.ge @!p1 [sflag:s6], $0xA000  }
0x67: {  	s13 =	simm.s32 $0xA0000;
	s8 =	sadd.s32 $0x1400, s11;
	[sflag:s6] =	ssyncset.done @!p1 $0x0  }
0x68: {  	s4 =	sadd.s32 @!p2 $0x78000, s4;
	[sflag:s6] =	ssyncadd.s32 @!p1 $0xFFFF6000;
	s6 =	sadd.s32 $0x1400, s10  }
.LBB2_2:
0x69: {  	[hbm4b:s7+s30] =	stream.linear.scatter @!p1 [tilespmem:s31], [sflag:$0x6], $0xA000, $0x38;
	[tilespmem:$0x14500] =	vst v63  }
0x6a: {  	s31 =	smov.u32 s13;
	s7 =	smov.u32 s4;
	p1 =	por p2, p2  }
0x6b: {  	p2 =	sgt.u32 s26, $0x4E1;
	s30 =	simm.s32 @!p1 $0x0;
	s25 =	simm.s32 @!p1 $0x280  }
0x6c: {  	[tilespmem:s25], [sflag:$0x2] =	stream.linear.gather @!p1 [hbm4b:s8+s30], $0x280, $0x38;
	[tilespmem:$0x14500] =	vst v63  }
0x6d: {  	s13 =	sadd.s32 $0x50000, s13;
	s4 =	sadd.s32 @!p2 s31, s9;
	_ =	swait.ge [sflag:s0], $0xA000  }
0x6e: {  	p3 =	sne.s32 s13, $0x5F0000;
	s4 =	sadd.s32 @!p2 $0x78000, s4;
	[sflag:s0] =	ssyncset.done $0x0  }
0x6f: {  	[sflag:s0] =	ssyncadd.s32 $0xFFFF6000  }
0x70: {  	_ =	swait.ge [sflag:s14], $0x280  }
0x71: {  	[sflag:s14] =	ssyncset.done $0x0  }
0x72: {  	[sflag:s14] =	ssyncadd.s32 $0xFFFFFD80  }
0x73: {  	[tilespmem:s16], [sflag:$0x3] =	stream.indirect.gather [hbm4b:s1+s15], $0x40, s2, s15, $0xb8;
	[tilespmem:$0x14500] =	vst v63  }
0x74: {  	_ = 	snop  }
0x75: {  	[tilespmem:s17], [sflag:$0x3] =	stream.indirect.gather [hbm4b:s1+s15], $0x40, s15, s15, $0xb8;
	[tilespmem:$0x14500] =	vst v63  }
0x76: {  	_ = 	snop  }
0x77: {  	[tilespmem:s19], [sflag:$0x3] =	stream.indirect.gather [hbm4b:s1+s15], $0x40, s18, s15, $0xb8;
	[tilespmem:$0x14500] =	vst v63  }
0x78: {  	_ = 	snop  }
0x79: {  	[tilespmem:s21], [sflag:$0x3] =	stream.indirect.gather [hbm4b:s1+s15], $0x40, s20, s15, $0xb8;
	[tilespmem:$0x14500] =	vst v63  }
0x7a: {  	_ = 	snop  }
0x7b: {  	[tilespmem:s23], [sflag:$0x3] =	stream.indirect.gather [hbm4b:s1+s15], $0x40, s22, s15, $0xb8;
	[tilespmem:$0x14500] =	vst v63  }
0x7c: {  	_ =	swait.ge [sflag:s24], $0xA000  }
0x7d: {  	s10 =	sadd.s32 s3, s9;
	s3 =	smov.u32 s31;
	[sflag:s24] =	ssyncset.done $0x0  }
0x7e: {  	p4 =	sgt.u32 s5, $0x4C1;
	s10 =	sadd.s32 $0x50000, s10;
	[sflag:s24] =	ssyncadd.s32 $0xFFFF6000  }
0x7f: {  	[hbm4b:s10+s2] =	stream.linear.scatter [tilespmem:s16], [sflag:$0x5], $0xA000, $0x38;
	[tilespmem:$0x14500] =	vst v63  }
0x80: {  	s5 =	smov.u32 s26;
	s10 =	simm.s32 @!p4 $0x0  }
0x81: {  	[tilespmem:s10], [sflag:$0x1] =	stream.linear.gather @!p4 [hbm4b:s6+s10], $0x280, $0x38;
	[tilespmem:$0x14500] =	vst v63  }
0x82: {  	_ =	swait.ge [sflag:s28], $0xA000  }
0x83: {  	[sflag:s28] =	ssyncset.done $0x0  }
0x84: {  	s10 =	simm.s32 @!p1 $0x2;
	[sflag:s28] =	ssyncadd.s32 $0xFFFF6000  }
0x85: {  	_ =	swait.ge @!p1 [sflag:s10], $0x280  }
0x86: {  	[sflag:s10] =	ssyncset.done @!p1 $0x0  }
0x87: {  	s31 =	simm.s32 @!p1 $0xA500;
	[sflag:s10] =	ssyncadd.s32 @!p1 $0xFFFFFD80;
	s10 =	simm.s32 @!p1 $0x80  }
0x88: {  	[tilespmem:s31], [sflag:$0x4] =	stream.indirect.gather @!p1 [hbm4b:s1+s10], $0x40, s25, s10, $0xb8;
	[tilespmem:$0x14500] =	vst v63  }
0x89: {  	s11 =	simm.s32 @!p1 $0xC500;
	s25 =	simm.s32 @!p1 $0x300  }
0x8a: {  	[tilespmem:s11], [sflag:$0x4] =	stream.indirect.gather @!p1 [hbm4b:s1+s10], $0x40, s25, s10, $0xb8;
	[tilespmem:$0x14500] =	vst v63  }
0x8b: {  	s11 =	simm.s32 @!p1 $0x380;
	s25 =	simm.s32 @!p1 $0xE500  }
0x8c: {  	[tilespmem:s25], [sflag:$0x4] =	stream.indirect.gather @!p1 [hbm4b:s1+s10], $0x40, s11, s10, $0xb8;
	[tilespmem:$0x14500] =	vst v63  }
0x8d: {  	s12 =	simm.s32 @!p1 $0x4;
	s11 =	simm.s32 @!p1 $0x400;
	s25 =	simm.s32 @!p1 $0x10500  }
0x8e: {  	[tilespmem:s25], [sflag:$0x4] =	stream.indirect.gather @!p1 [hbm4b:s1+s10], $0x40, s11, s10, $0xb8;
	[tilespmem:$0x14500] =	vst v63  }
.Ltmp0:
0x8f: {  	s11 =	simm.s32 @!p1 $0x480;
	s25 =	simm.s32 @!p1 $0x12500;
	(pc) =	sbr.rel @p3 .LBB2_2-.Ltmp0, $4  }
0x90: {  	[tilespmem:s25], [sflag:$0x4] =	stream.indirect.gather @!p1 [hbm4b:s1+s10], $0x40, s11, s10, $0xb8;
	[tilespmem:$0x14500] =	vst v63  }
0x91: {  	_ =	swait.ge @!p1 [sflag:s12], $0xA000  }
0x92: {  	s8 =	sadd.s32 $0x1400, s8;
	[sflag:s12] =	ssyncset.done @!p1 $0x0  }
0x93: {  	s26 =	sadd.s32 $0x40, s26;
	s6 =	sadd.s32 $0x1400, s6;
	[sflag:s12] =	ssyncadd.s32 @!p1 $0xFFFF6000  }
0x94: {  	[hbm4b:s7+s30] =	stream.linear.scatter @!p1 [tilespmem:s31], [sflag:$0x6], $0xA000, $0x38;
	[tilespmem:$0x14500] =	vst v63  }
0x95: {  	p1 =	por p2, p2  }
0x96: {  	s7 =	simm.s32 @!p1 $0x0;
	s10 =	simm.s32 @!p1 $0x280  }
0x97: {  	[tilespmem:s10], [sflag:$0x2] =	stream.linear.gather @!p1 [hbm4b:s8+s7], $0x280, $0x38;
	[tilespmem:$0x14500] =	vst v63  }
0x98: {  	_ =	swait.ge [sflag:s0], $0xA000  }
0x99: {  	[sflag:s0] =	ssyncset.done $0x0  }
0x9a: {  	[sflag:s0] =	ssyncadd.s32 $0xFFFF6000  }
0x9b: {  	_ =	swait.ge [sflag:s14], $0x280  }
0x9c: {  	[sflag:s14] =	ssyncset.done $0x0  }
0x9d: {  	[sflag:s14] =	ssyncadd.s32 $0xFFFFFD80  }
0x9e: {  	[tilespmem:s16], [sflag:$0x3] =	stream.indirect.gather [hbm4b:s1+s15], $0x40, s2, s15, $0xb8;
	[tilespmem:$0x14500] =	vst v63  }
0x9f: {  	_ = 	snop  }
0xa0: {  	[tilespmem:s17], [sflag:$0x3] =	stream.indirect.gather [hbm4b:s1+s15], $0x40, s15, s15, $0xb8;
	[tilespmem:$0x14500] =	vst v63  }
0xa1: {  	_ = 	snop  }
0xa2: {  	[tilespmem:s19], [sflag:$0x3] =	stream.indirect.gather [hbm4b:s1+s15], $0x40, s18, s15, $0xb8;
	[tilespmem:$0x14500] =	vst v63  }
0xa3: {  	_ = 	snop  }
0xa4: {  	[tilespmem:s21], [sflag:$0x3] =	stream.indirect.gather [hbm4b:s1+s15], $0x40, s20, s15, $0xb8;
	[tilespmem:$0x14500] =	vst v63  }
0xa5: {  	_ = 	snop  }
0xa6: {  	[tilespmem:s23], [sflag:$0x3] =	stream.indirect.gather [hbm4b:s1+s15], $0x40, s22, s15, $0xb8;
	[tilespmem:$0x14500] =	vst v63  }
0xa7: {  	_ =	swait.ge [sflag:s24], $0xA000  }
0xa8: {  	s3 =	sadd.s32 s3, s9;
	[sflag:s24] =	ssyncset.done $0x0  }
0xa9: {  	p2 =	sgt.u32 s5, $0x4C1;
	s3 =	sadd.s32 $0x50000, s3;
	[sflag:s24] =	ssyncadd.s32 $0xFFFF6000  }
0xaa: {  	[hbm4b:s3+s2] =	stream.linear.scatter [tilespmem:s16], [sflag:$0x5], $0xA000, $0x38;
	[tilespmem:$0x14500] =	vst v63  }
0xab: {  	s3 =	simm.s32 @!p2 $0x0  }
0xac: {  	[tilespmem:s3], [sflag:$0x1] =	stream.linear.gather @!p2 [hbm4b:s6+s3], $0x280, $0x38;
	[tilespmem:$0x14500] =	vst v63  }
0xad: {  	_ =	swait.ge [sflag:s28], $0xA000  }
0xae: {  	[sflag:s28] =	ssyncset.done $0x0  }
0xaf: {  	s3 =	simm.s32 @!p1 $0x2;
	[sflag:s28] =	ssyncadd.s32 $0xFFFF6000  }
0xb0: {  	_ =	swait.ge @!p1 [sflag:s3], $0x280  }
0xb1: {  	[sflag:s3] =	ssyncset.done @!p1 $0x0  }
0xb2: {  	s5 =	simm.s32 @!p1 $0xA500;
	[sflag:s3] =	ssyncadd.s32 @!p1 $0xFFFFFD80;
	s3 =	simm.s32 @!p1 $0x80  }
0xb3: {  	[tilespmem:s5], [sflag:$0x4] =	stream.indirect.gather @!p1 [hbm4b:s1+s3], $0x40, s10, s3, $0xb8;
	[tilespmem:$0x14500] =	vst v63  }
0xb4: {  	s8 =	simm.s32 @!p1 $0xC500;
	s6 =	simm.s32 @!p1 $0x300  }
0xb5: {  	[tilespmem:s8], [sflag:$0x4] =	stream.indirect.gather @!p1 [hbm4b:s1+s3], $0x40, s6, s3, $0xb8;
	[tilespmem:$0x14500] =	vst v63  }
0xb6: {  	s6 =	simm.s32 @!p1 $0x380;
	s8 =	simm.s32 @!p1 $0xE500  }
0xb7: {  	[tilespmem:s8], [sflag:$0x4] =	stream.indirect.gather @!p1 [hbm4b:s1+s3], $0x40, s6, s3, $0xb8;
	[tilespmem:$0x14500] =	vst v63  }
0xb8: {  	s6 =	simm.s32 @!p1 $0x400;
	s8 =	simm.s32 @!p1 $0x10500  }
0xb9: {  	[tilespmem:s8], [sflag:$0x4] =	stream.indirect.gather @!p1 [hbm4b:s1+s3], $0x40, s6, s3, $0xb8;
	[tilespmem:$0x14500] =	vst v63  }
0xba: {  	s10 =	simm.s32 @!p1 $0x12500;
	s6 =	simm.s32 @!p1 $0x4;
	s8 =	simm.s32 @!p1 $0x480  }
0xbb: {  	[tilespmem:s10], [sflag:$0x4] =	stream.indirect.gather @!p1 [hbm4b:s1+s3], $0x40, s8, s3, $0xb8;
	[tilespmem:$0x14500] =	vst v63  }
0xbc: {  	_ =	swait.ge @!p1 [sflag:s6], $0xA000  }
0xbd: {  	[sflag:s6] =	ssyncset.done @!p1 $0x0  }
0xbe: {  	[sflag:s6] =	ssyncadd.s32 @!p1 $0xFFFF6000  }
0xbf: {  	[hbm4b:s4+s7] =	stream.linear.scatter @!p1 [tilespmem:s5], [sflag:$0x6], $0xA000, $0x38;
	[tilespmem:$0x14500] =	vst v63  }
0xc0: {  	_ =	swait.ge [sflag:s0], $0xA000  }
0xc1: {  	[sflag:s0] =	ssyncset.done $0x0  }
0xc2: {  	s3 =	simm.s32 @!p0 $0x6;
	[sflag:s0] =	ssyncadd.s32 $0xFFFF6000  }
0xc3: {  	_ =	swait.ge @!p0 [sflag:s3], $0xA000  }
0xc4: {  	s29 =	sadd.s32 $0x1, s29;
	s31 =	rddreg [dreg:$0x4]  }
0xc5: {  	p1 =	sne.s32 s29, s31  }
.Ltmp1:
0xc6: {  	_ = 	snop;
	(pc) =	sbr.rel @p1 .LBB2_1-.Ltmp1, $3  }
0xc7: {  	_ =	sdelay $0x1  }
0xc8: {  	[sflag:s3] =	ssyncset.done @!p0 $0x0  }
0xc9: {  	[sflag:s3] =	ssyncadd.s32 @!p0 $0xFFFF6000  }
0xca: {  	_ =	sfence.sel $0x180000  }
0xcb: {  	[bflag:$0x0] =	sbarrier.arrive $0xFFFF  }
0xcc: {  	_ =	strace $0x90000047  }
0xcd: {  	[bflag:$0x2] =	sbarrier.arrive $0xFFFF  }
0xce: {  	s0 =	rddreg [dreg:$0x2]  }
0xcf: {  	s0 =	sadd.s32 @!p0 $0x100000, s0  }
0xd0: {  	[sflag:s0] =	ssyncadd.tile.s32 @!p0 $0x1;
	_ =	shalt  }
.Lfunc_end2:
_tile_overlayer_lowered:
.L_overlay_start_2:
0xd1: {  	(tag) =	ssettag $0x2  }
0xd2: {  	s0 =	rddreg [dreg:$0x0];
	s2 =	stileid.u32  }
0xd3: {  	s1 =	rddreg [dreg:$0x1];
	p0 =	sne.s32 s2, $0x0  }
0xd4: {  	s3 =	rddreg [dreg:$0x2];
	[bflag:$0x3] =	sbarrier.arrive $0xFFFF;
	s2 =	simm.s32 @!p0 $0x1C07  }
0xd5: {  	[timem:s3], [sflag:s2] =	dma.local @!p0 [hbm:s0], s1  }
0xd6: {  	s0 =	simm.s32 @!p0 $0x7  }
0xd7: {  	_ =	swait.ge @!p0 [sflag:s0], s1  }
0xd8: {  	s1 =	ssub.s32 @!p0 $0x0, s1;
	[sflag:s0] =	ssyncset.done @!p0 $0x0  }
0xd9: {  	[sflag:s0] =	ssyncadd.s32 @!p0 s1  }
0xda: {  	[bflag:$0x3] =	sbarrier.arrive $0xFFFF  }
0xdb: {  	_ =	shalt  }

// kernel: kernel.9.cloned.1.call-start
scs
__scs_entry_jumppad:
0x0: {  	(pc) =	sbr.rel $0x88, $3  }
0x1: {  	(tag) =	ssettag $0x0;
	lr =	simm.s32 $0x1  }
0x2: {  	[smem:$0x3F99] =	sst lr;
	_ =	strace $0xD0000000  }
0x3: {  	_ = 	snop  }
0x4: {  	_ = 	snop  }
0x5: {  	_ = 	snop  }
0x6: {  	_ = 	snop  }
0x7: {  	_ = 	snop  }
__scs_overlays_trampoline_lowered:
0x8: {  	[smem:$0x3FA8] =	sst s0  }
0x9: {  	[smem:$0x3FA9] =	sst s1  }
0xa: {  	[smem:$0x3FAA] =	sst s2  }
0xb: {  	[smem:$0x3FAB] =	sst s3  }
0xc: {  	[smem:$0x3FAC] =	sst s4  }
0xd: {  	[smem:$0x3FAD] =	sst s5  }
0xe: {  	[smem:$0x3FAE] =	sst s6  }
0xf: {  	[smem:$0x3FAF] =	sst s7  }
0x10: {  	[smem:$0x3FB0] =	sst s8  }
0x11: {  	[smem:$0x3FB1] =	sst s9;
	s0 =	simm.s32 @!p0 $0x0  }
0x12: {  	s1 =	sld [smem:$0x3F97];
	s0 =	simm.s32 @p0 $0x1  }
0x13: {  	[smem:$0x3FB2] =	sst s0;
	s0 =	simm.s32 @!p1 $0x0  }
0x14: {  	s2 =	sld [smem:$0x3F96];
	s0 =	simm.s32 @p1 $0x1  }
0x15: {  	[smem:$0x3FB3] =	sst s0;
	s0 =	simm.s32 @!p2 $0x0  }
0x16: {  	s3 =	sld [smem:$0x3FDB];
	s0 =	simm.s32 @p2 $0x1  }
0x17: {  	s4 =	simm.s32 $0x1BF5;
	[smem:$0x3FB5] =	sst s0  }
0x18: {  	s0 =	sld [smem:$0x3F98];
	_ =	swait.ge [sflag:s4], $0x0  }
0x19: {  	s7 =	sld [smem:$0x3F99]  }
0x1a: {  	s8 =	sadd.s32 $0xFFFFE003, lr  }
0x1b: {  	s9 =	sadd.s32 $0xFFFFFEF7, lr;
	s5 =	simm.s32 $0xFFFFFFFF;
	p2 =	slt.u32 s8, $0xFFFFF086  }
0x1c: {  	p1 =	slt.u32 s9, $0xF7A;
	s5 =	simm.s32 @!p2 $0x0  }
0x1d: {  	s5 =	simm.s32 @p1 $0x1;
	p0 =	seq.s32 s7, s2  }
0x1e: {  	s7 =	smul.u32 @!p0 $0xF7A, s2;
	p2 =	seq.s32 @!p0 s5, $0x0  }
0x1f: {  	s9 =	smul.u32 $0xF7A, s1;
	s8 =	simm.s32 @!p0 $0x1BF5;
	p2 =	por !p2, p0  }
0x20: {  	[sflag:s8] =	ssyncset.s32 @!p0 $0xFFFFF086;
	s6 =	sadd.s32 @!p0 s3, s7;
	s7 =	simm.s32 @!p0 $0x108  }
0x21: {  	s3 =	sadd.s32 s3, s9;
	s6 =	sadd.s32 @!p0 $0x88, s6;
	s7 =	simm.s32 @p2 $0x1082  }
0x22: {  	[simem:s7], [sflag:s8] =	dma.local @!p0 [hbm:s6], $0xF7A  }
0x23: {  	s9 =	sor.u32 $0xD0000000, s2;
	s6 =	simm.s32 $0x108;
	_ =	swait.ge @!p0 [sflag:s8], $0x0  }
0x24: {  	s3 =	sadd.s32 $0x88, s3;
	s6 =	simm.s32 @!p1 $0x1082;
	[sflag:s4] =	ssyncset.s32 $0xFFFFF086  }
0x25: {  	[simem:s6], [sflag:s4] =	dma.local [hbm:s3], $0xF7A  }
0x26: {  	[smem:$0x3F99] =	sst s1;
	(tag) =	ssettag s2;
	_ =	strace s9  }
0x27: {  	s1 =	sld [smem:$0x3FA9]  }
0x28: {  	s2 =	sld [smem:$0x3FAA]  }
0x29: {  	s4 =	sld [smem:$0x3FAC]  }
0x2a: {  	p0 =	seq.s32 s5, $0x0;
	s5 =	sld [smem:$0x3FAD]  }
0x2b: {  	s6 =	sld [smem:$0x3FAE]  }
0x2c: {  	s7 =	sld [smem:$0x3FAF]  }
0x2d: {  	s3 =	simm.s32 $0x108;
	s8 =	sld [smem:$0x3FB0]  }
0x2e: {  	s3 =	simm.s32 @!p0 $0x1082;
	s9 =	sld [smem:$0x3FB1]  }
0x2f: {  	lr =	sadd.s32 s0, s3;
	s0 =	sld [smem:$0x3FA8]  }
0x30: {  	s3 =	sld [smem:$0x3FAB]  }
0x31: {  	[smem:$0x3FB4] =	sst s10  }
0x32: {  	s10 =	sld [smem:$0x3FB2];
	_ =	sdelay $0x3  }
0x33: {  	p0 =	seq.s32 s10, $0x1;
	s10 =	sld [smem:$0x3FB4];
	_ =	sdelay $0x3  }
0x34: {  	[smem:$0x3FB4] =	sst s10  }
0x35: {  	s10 =	sld [smem:$0x3FB3];
	_ =	sdelay $0x3  }
0x36: {  	p1 =	seq.s32 s10, $0x1;
	s10 =	sld [smem:$0x3FB4];
	_ =	sdelay $0x3  }
0x37: {  	[smem:$0x3FB4] =	sst s10  }
0x38: {  	s10 =	sld [smem:$0x3FB5]  }
0x39: {  	_ = 	snop;
	(pc) =	sbr.ind lr, $3  }
0x3a: {  	_ = 	snop  }
0x3b: {  	_ = 	snop  }
0x3c: {  	p2 =	seq.s32 s10, $0x1;
	s10 =	sld [smem:$0x3FB4]  }
0x3d: {  	_ =	shalt  }
0x3e: {  	_ =	shalt  }
0x3f: {  	_ =	shalt  }
0x40: {  	_ =	shalt  }
0x41: {  	_ =	shalt  }
0x42: {  	_ =	shalt  }
0x43: {  	_ =	shalt  }
0x44: {  	_ =	shalt  }
0x45: {  	_ =	shalt  }
0x46: {  	_ =	shalt  }
0x47: {  	_ =	shalt  }
0x48: {  	_ =	shalt  }
0x49: {  	_ =	shalt  }
0x4a: {  	_ =	shalt  }
0x4b: {  	_ =	shalt  }
0x4c: {  	_ =	shalt  }
0x4d: {  	_ =	shalt  }
0x4e: {  	_ =	shalt  }
0x4f: {  	_ =	shalt  }
0x50: {  	_ =	shalt  }
0x51: {  	_ =	shalt  }
0x52: {  	_ =	shalt  }
0x53: {  	_ =	shalt  }
0x54: {  	_ =	shalt  }
0x55: {  	_ =	shalt  }
0x56: {  	_ =	shalt  }
0x57: {  	_ =	shalt  }
0x58: {  	_ =	shalt  }
0x59: {  	_ =	shalt  }
0x5a: {  	_ =	shalt  }
0x5b: {  	_ =	shalt  }
0x5c: {  	_ =	shalt  }
0x5d: {  	_ =	shalt  }
0x5e: {  	_ =	shalt  }
0x5f: {  	_ =	shalt  }
0x60: {  	_ =	shalt  }
0x61: {  	_ =	shalt  }
0x62: {  	_ =	shalt  }
0x63: {  	_ =	shalt  }
0x64: {  	_ =	shalt  }
0x65: {  	_ =	shalt  }
0x66: {  	_ =	shalt  }
0x67: {  	_ =	shalt  }
0x68: {  	_ =	shalt  }
0x69: {  	_ =	shalt  }
0x6a: {  	_ =	shalt  }
0x6b: {  	_ =	shalt  }
0x6c: {  	_ =	shalt  }
0x6d: {  	_ =	shalt  }
0x6e: {  	_ =	shalt  }
0x6f: {  	_ =	shalt  }
0x70: {  	_ =	shalt  }
0x71: {  	_ =	shalt  }
0x72: {  	_ =	shalt  }
0x73: {  	_ =	shalt  }
0x74: {  	_ =	shalt  }
0x75: {  	_ =	shalt  }
0x76: {  	_ =	shalt  }
0x77: {  	_ =	shalt  }
0x78: {  	_ =	shalt  }
0x79: {  	_ =	shalt  }
0x7a: {  	_ =	shalt  }
0x7b: {  	_ =	shalt  }
0x7c: {  	_ =	shalt  }
0x7d: {  	_ =	shalt  }
0x7e: {  	_ =	shalt  }
0x7f: {  	_ =	shalt  }
0x80: {  	_ =	shalt  }
0x81: {  	_ =	shalt  }
0x82: {  	_ =	shalt  }
0x83: {  	_ =	shalt  }
0x84: {  	_ =	shalt  }
0x85: {  	_ =	shalt  }
0x86: {  	_ =	shalt  }
0x87: {  	_ =	shalt  }
.Lfunc_end0:
.L_simem_size_0:
called_computation.1_lowered:
.L_overlay_start_0:
0x88: {  	s2 =	sld [smem:$0x3FD9]  }
0x89: {  	s3 =	sld [smem:$0x3FFE];
	_ =	sdelay $0x1  }
0x8a: {  	s1 =	srdreg.scid  }
0x8b: {  	s0 =	sand.u32 $0x1, s1  }
0x8c: {  	s17 =	sshll.u32 s0, $0xA;
	s2 =	sadd.s32 s3, s2  }
0x8d: {  	s2 =	sadd.s32 s2, s17  }
0x8e: {  	[smem:$0x3FC0] =	sst s2  }
0x8f: {  	_ = 	snop  }
0x90: {  	s2 =	sld [smem:$0x3FD0];
	(tm) =	ssettm $0x1  }
0x91: {  	s18 =	sld [smem:$0x3FFB];
	_ =	sdelay $0x3  }
0x92: {  	_ =	strace s18  }
0x93: {  	s3 =	sld [smem:$0x3FFC];
	_ =	sdelay $0x3  }
0x94: {  	_ =	strace s3  }
0x95: {  	s3 =	sld [smem:$0x3FFD];
	_ =	sdelay $0x3  }
0x96: {  	_ =	strace s3  }
0x97: {  	_ =	strace $0x8FFFFFFF  }
0x98: {  	s19 =	sld [smem:$0x3FDB];
	_ =	sdelay $0x1  }
0x99: {  	s4 =	simm.s32 $_scs_section_size  }
0x9a: {  	s5 =	simm.s32 $_size__tile_overlayer_lowered;
	s6 =	simm.s32 $_tile_overlayer_lowered  }
0x9b: {  	s22 =	simm.s32 $0x1BFF;
	s21 =	sshll.u32 s6, $0x1;
	s3 =	sadd.s32 s4, s19  }
0x9c: {  	s7 =	simm.s32 $0x0;
	s20 =	sshll.u32 s5, $0x1;
	s5 =	sadd.s32 s21, s3  }
0x9d: {  	[timem:s7], [sflag:s22] =	dma.local [hbm:s5], s20  }
0x9e: {  	_ =	swait.ge [sflag:s22], s20  }
0x9f: {  	s4 =	ssub.s32 $0x0, s20;
	[sflag:s22] =	ssyncset.done $0x0  }
0xa0: {  	[sflag:s22] =	ssyncadd.s32 s4;
	_ =	sdelay $0x1  }
0xa1: {  	s23 =	simm.s32 $0x1B8B  }
0xa2: {  	_ =	swait.ge [sflag:s23], $0x1  }
0xa3: {  	[sflag:s23] =	ssyncset.done $0x0  }
0xa4: {  	s25 =	simm.s32 $0x1B8E;
	s24 =	sld [smem:$0x3FFE];
	[sflag:s23] =	ssyncadd.s32 $0xFFFFFFFF  }
0xa5: {  	s26 =	simm.s32 $execute0_lowered;
	[smem:$0x3FD2] =	sst s25  }
0xa6: {  	s5 =	sshll.u32 s26, $0x1;
	_ =	strace $0x80000049;
	[dreg:$0x1] =	wrdreg $0xFFFFFFFF  }
0xa7: {  	s28 =	simm.s32 $_size_execute0_lowered;
	s3 =	sadd.s32 s3, s5;
	[dreg:$0x0] =	wrdreg $0x0  }
0xa8: {  	s5 =	sshll.u32 s28, $0x1;
	[dreg:$0x2] =	wrdreg s3  }
0xa9: {  	[dreg:$0x3] =	wrdreg s5  }
0xaa: {  	[dreg:$0x4] =	wrdreg $0xC0  }
0xab: {  	_ =	task [dreg:s7], $0x5FFFF  }
0xac: {  	[dreg:$0x1] =	wrdreg $0xFFFFFFFF  }
0xad: {  	[dreg:$0x0] =	wrdreg $0x60  }
0xae: {  	[dreg:$0x2] =	wrdreg s24  }
0xaf: {  	[dreg:$0x3] =	wrdreg s2  }
0xb0: {  	[dreg:$0x4] =	wrdreg $0x42000  }
0xb1: {  	[dreg:$0x5] =	wrdreg $0x9  }
0xb2: {  	_ =	task.clear_ibuf [dreg:s7], $0x6FFFF;
	_ =	strace $0x90000049  }
0xb3: {  	s29 =	simm.s32 $0x9;
	_ =	strace $0x8000004B  }
0xb4: {  	_ =	swait.ge [sflag:s29], $0x1  }
0xb5: {  	[sflag:s29] =	ssyncadd.s32 $0xFFFFFFFF  }
0xb6: {  	_ =	strace $0x9000004B  }
0xb7: {  	_ =	sfence  }
0xb8: {  	s30 =	sld [smem:$0x0];
	_ =	sdelay $0x2  }
0xb9: {  	s31 =	sshll.u32 s1, $0xD;
	s1 =	sshrl.u32 s1, $0x2  }
0xba: {  	s3 =	sand.u32 $0x4000, s31;
	s1 =	sadd.s32 s1, s30  }
0xbb: {  	s0 =	sor.u32 s3, s0;
	s1 =	sshll.u32 s1, $0x11  }
0xbc: {  	s0 =	sor.u32 s1, s0  }
0xbd: {  	s0 =	sadd.s32 $0x8F2B, s0  }
0xbe: {  	[sflag:s0] =	ssyncadd.remote.s32 $0x1  }
0xbf: {  	_ =	sfence.sel $0xFFFF  }
0xc0: {  	[dreg:$0x0] =	wrdreg $0xFFFFFFFF;
	(pc) =	sbr.abs _section_cstart, $3  }
0xc1: {  	[dreg:$0x1] =	wrdreg $0xFFFFFFFF  }
0xc2: {  	_ =	task.clear_ibuf [dreg:s7], $0x2FFFF;
	_ =	strace $0x9FFFFFFF  }
0xc3: {  	(tm) =	ssettm $0x7FFFFFFF  }
tec
execute0_lowered:
.L_overlay_start_1:
0x0: {  	(tag) =	ssettag $0x1  }
0x1: {  	s0 =	rddreg [dreg:$0x0]  }
0x2: {  	s1 =	rddreg [dreg:$0x1]  }
0x3: {  	s2 =	rddreg [dreg:$0x2];
	s3 =	simm.s32 $0x0  }
0x4: {  	s26 =	stileid.u32;
	s5 =	srdreg.scid;
	s28 =	simm.s32 $0x1200  }
0x5: {  	s29 =	simm.s32 $0x5;
	s30 =	simm.s32 $0x2;
	s31 =	simm.s32 $0x4  }
0x6: {  	[smem:$0x7FF] =	sst s3;
	s4 =	smul.u32 $0x18700, s26;
	s7 =	sand.u32 $0x1, s5  }
0x7: {  	s8 =	sadd.s32 $0x1A200, s0;
	s9 =	sadd.s32 $0xF6000, s0;
	s15 =	sshll.u32 s26, $0x6  }
0x8: {  	s16 =	sshll.u32 s26, $0x5;
	s19 =	sshll.u32 s26, $0xB;
	s21 =	sor.u32 $0x10, s26  }
0x9: {  	s25 =	sor.u32 $0x20, s26;
	p1 =	sgt.u32 s26, $0x4;
	_ =	strace $0x8000004A  }
0xa: {  	s6 =	ssub.s32 $0x2, s7;
	s11 =	smul.u32 $0x187000, s7;
	s5 =	sor.u32 $0x1C07, s15  }
0xb: {  	s18 =	sshll.u32 s7, $0x2;
	s23 =	sshll.u32 s21, $0x5;
	s24 =	sshll.u32 s21, $0xB  }
0xc: {  	s7 =	sadd.s32 s19, s9;
	s21 =	simm.s32 $0x200;
	s13 =	sshrl.u32 s4, $0x3  }
0xd: {  	s14 =	sshrl.u32 s6, $0x1;
	s17 =	sadd.s32 s4, s2;
	s15 =	sadd.s32 s9, s18  }
0xe: {  	s0 =	sadd.s32 s13, s0;
	s10 =	ssub.s32 s6, s14;
	s6 =	sadd.s32 s8, s16  }
0xf: {  	s4 =	sadd.s32 s4, s11;
	s20 =	sadd.s32 s19, s15;
	s11 =	sor.u32 $0xC30, s26  }
0x10: {  	s17 =	sshrl.u32 s17, $0x3;
	s19 =	simm.s32 $0x20;
	s26 =	simm.s32 $0x80  }
0x11: {  	s0 =	sadd.s32 $0x710800, s0;
	[dreg:$0x5] =	wrdreg s20;
	s4 =	sshrl.u32 s4, $0x3  }
0x12: {  	s22 =	smax.u32 s10, $0x1;
	s10 =	sshll.u32 s25, $0x5;
	s16 =	sshll.u32 s11, $0xB  }
0x13: {  	s20 =	simm.s32 $0x40;
	p0 =	sgt.u32 s11, $0xC34;
	[dreg:$0x4] =	wrdreg s0  }
0x14: {  	s1 =	sadd.s32 s1, s4;
	[dreg:$0x7] =	wrdreg s22;
	s4 =	sshll.u32 s25, $0xB  }
0x15: {  	s12 =	sadd.s32 s8, s10;
	s25 =	sshll.u32 s11, $0x5;
	s0 =	sadd.s32 s18, s7  }
0x16: {  	s18 =	simm.s32 $0x7;
	s22 =	simm.s32 $0x100;
	s7 =	simm.s32 $0x0  }
0x17: {  	[dreg:$0x6] =	wrdreg s1;
	s1 =	sadd.s32 s8, s23;
	s13 =	sadd.s32 s4, s15  }
0x18: {  	s14 =	sadd.s32 s8, s25;
	s23 =	simm.s32 $0x2200;
	s25 =	simm.s32 $0x3  }
0x19: {  	s4 =	simm.s32 $0x6;
	[dreg:$0x8] =	wrdreg s1;
	s1 =	sadd.s32 s24, s15  }
0x1a: {  	s15 =	sadd.s32 s16, s15;
	s16 =	sadd.s32 $0x20000, s0;
	s24 =	simm.s32 $0x1  }
0x1b: {  	s0 =	simm.s32 $0x180;
	[dreg:$0x9] =	wrdreg s1;
	s1 =	simm.s32 $0x3200  }
.LBB2_1:
0x1c: {  	s8 =	rddreg [dreg:$0x4]  }
0x1d: {  	[spmem:s17], [sflag:s5] =	dma.local [hbm:s8], $0x30E0  }
0x1e: {  	_ =	swait.ge [sflag:s18], $0x30E0  }
0x1f: {  	[sflag:s18] =	ssyncset.done $0x0  }
0x20: {  	[sflag:s18] =	ssyncadd.s32 $0xFFFFCF20  }
0x21: {  	[bflag:$0x0] =	sbarrier.arrive $0xFFFF  }
0x22: {  	[tilespmem:s3], [sflag:$0x1] =	stream.linear.gather [hbm4b:s6+s3], $0x100, $0x38;
	[tilespmem:$0x1C900] =	vst v63  }
0x23: {  	s10 =	rddreg [dreg:$0x5]  }
0x24: {  	[tilespmem:s21], [sflag:$0x3] =	stream.strided.gather [hbm4b:s10+s19], $0x2000, s20, s19, $0x38;
	[tilespmem:$0x1C900] =	vst v63  }
0x25: {  	s11 =	rddreg [dreg:$0x8]  }
0x26: {  	[tilespmem:s22], [sflag:$0x2] =	stream.linear.gather [hbm4b:s11+s3], $0x100, $0x38;
	[tilespmem:$0x1C900] =	vst v63  }
0x27: {  	s9 =	rddreg [dreg:$0x9]  }
0x28: {  	[tilespmem:s23], [sflag:$0x4] =	stream.strided.gather [hbm4b:s9+s19], $0x2000, s20, s19, $0x38;
	[tilespmem:$0x1C900] =	vst v63  }
0x29: {  	_ =	swait.ge [sflag:s24], $0x100  }
0x2a: {  	[sflag:s24] =	ssyncset.done $0x0  }
0x2b: {  	[sflag:s24] =	ssyncadd.s32 $0xFFFFFF00  }
0x2c: {  	_ =	swait.ge [sflag:s25], $0x2000  }
0x2d: {  	[sflag:s25] =	ssyncset.done $0x0  }
0x2e: {  	[sflag:s25] =	ssyncadd.s32 $0xFFFFE000  }
0x2f: {  	[spmem:s2] =	stream.indirect.scatter.add.f32 [tilespmem:s21], [sflag:$0x5], $0x20, s3, s26, $0xb8;
	[tilespmem:$0x1C900] =	vst v63  }
0x30: {  	_ = 	snop  }
0x31: {  	[spmem:s2] =	stream.indirect.scatter.add.f32 [tilespmem:s28], [sflag:$0x5], $0x20, s26, s26, $0xb8;
	[tilespmem:$0x1C900] =	vst v63  }
0x32: {  	_ =	swait.ge [sflag:s29], $0x2000  }
0x33: {  	[sflag:s29] =	ssyncset.done $0x0  }
0x34: {  	[sflag:s29] =	ssyncadd.s32 $0xFFFFE000  }
0x35: {  	[tilespmem:s3], [sflag:$0x1] =	stream.linear.gather [hbm4b:s12+s3], $0x100, $0x38;
	[tilespmem:$0x1C900] =	vst v63  }
0x36: {  	_ = 	snop  }
0x37: {  	[tilespmem:s21], [sflag:$0x3] =	stream.strided.gather [hbm4b:s13+s19], $0x2000, s20, s19, $0x38;
	[tilespmem:$0x1C900] =	vst v63  }
0x38: {  	_ =	swait.ge [sflag:s30], $0x100  }
0x39: {  	[sflag:s30] =	ssyncset.done $0x0  }
0x3a: {  	[sflag:s30] =	ssyncadd.s32 $0xFFFFFF00  }
0x3b: {  	_ =	swait.ge [sflag:s31], $0x2000  }
0x3c: {  	[sflag:s31] =	ssyncset.done $0x0  }
0x3d: {  	[sflag:s31] =	ssyncadd.s32 $0xFFFFE000  }
0x3e: {  	[spmem:s2] =	stream.indirect.scatter.add.f32 [tilespmem:s23], [sflag:$0x6], $0x20, s22, s26, $0xb8;
	[tilespmem:$0x1C900] =	vst v63  }
0x3f: {  	_ = 	snop  }
0x40: {  	[spmem:s2] =	stream.indirect.scatter.add.f32 [tilespmem:s1], [sflag:$0x6], $0x20, s0, s26, $0xb8;
	[tilespmem:$0x1C900] =	vst v63  }
0x41: {  	_ =	swait.ge [sflag:s4], $0x2000  }
0x42: {  	s10 =	sadd.s32 $0x0, s6;
	[sflag:s4] =	ssyncset.done $0x0  }
0x43: {  	s9 =	sadd.s32 $0x600, s10;
	[sflag:s4] =	ssyncadd.s32 $0xFFFFE000  }
0x44: {  	[tilespmem:s22], [sflag:$0x2] =	stream.linear.gather [hbm4b:s9+s3], $0x100, $0x38;
	[tilespmem:$0x1C900] =	vst v63  }
0x45: {  	s11 =	sadd.s32 $0xFFFF8000, s16  }
0x46: {  	[tilespmem:s23], [sflag:$0x4] =	stream.strided.gather [hbm4b:s11+s19], $0x2000, s20, s19, $0x38;
	[tilespmem:$0x1C900] =	vst v63  }
0x47: {  	_ =	swait.ge [sflag:s24], $0x100  }
0x48: {  	[sflag:s24] =	ssyncset.done $0x0  }
0x49: {  	[sflag:s24] =	ssyncadd.s32 $0xFFFFFF00  }
0x4a: {  	_ =	swait.ge [sflag:s25], $0x2000  }
0x4b: {  	[sflag:s25] =	ssyncset.done $0x0  }
0x4c: {  	[sflag:s25] =	ssyncadd.s32 $0xFFFFE000  }
0x4d: {  	[spmem:s2] =	stream.indirect.scatter.add.f32 [tilespmem:s21], [sflag:$0x5], $0x20, s3, s26, $0xb8;
	[tilespmem:$0x1C900] =	vst v63  }
0x4e: {  	_ = 	snop  }
0x4f: {  	[spmem:s2] =	stream.indirect.scatter.add.f32 [tilespmem:s28], [sflag:$0x5], $0x20, s26, s26, $0xb8;
	[tilespmem:$0x1C900] =	vst v63  }
0x50: {  	_ =	swait.ge [sflag:s29], $0x2000  }
0x51: {  	[sflag:s29] =	ssyncset.done $0x0  }
0x52: {  	s8 =	sadd.s32 $0x800, s10;
	[sflag:s29] =	ssyncadd.s32 $0xFFFFE000  }
0x53: {  	[tilespmem:s3], [sflag:$0x1] =	stream.linear.gather [hbm4b:s8+s3], $0x100, $0x38;
	[tilespmem:$0x1C900] =	vst v63  }
0x54: {  	_ = 	snop  }
0x55: {  	[tilespmem:s21], [sflag:$0x3] =	stream.strided.gather [hbm4b:s16+s19], $0x2000, s20, s19, $0x38;
	[tilespmem:$0x1C900] =	vst v63  }
0x56: {  	_ =	swait.ge [sflag:s30], $0x100  }
0x57: {  	[sflag:s30] =	ssyncset.done $0x0  }
0x58: {  	[sflag:s30] =	ssyncadd.s32 $0xFFFFFF00  }
0x59: {  	_ =	swait.ge [sflag:s31], $0x2000  }
0x5a: {  	[sflag:s31] =	ssyncset.done $0x0  }
0x5b: {  	s9 =	sadd.s32 $0x10000, s16;
	s8 =	simm.s32 $0x400;
	[sflag:s31] =	ssyncadd.s32 $0xFFFFE000  }
0x5c: {  	[spmem:s2] =	stream.indirect.scatter.add.f32 [tilespmem:s23], [sflag:$0x6], $0x20, s22, s26, $0xb8;
	[tilespmem:$0x1C900] =	vst v63  }
.LBB2_2:
0x5d: {  	[spmem:s2] =	stream.indirect.scatter.add.f32 [tilespmem:s1], [sflag:$0x6], $0x20, s0, s26, $0xb8;
	[tilespmem:$0x1C900] =	vst v63  }
0x5e: {  	s10 =	smov.u32 s8  }
0x5f: {  	p2 =	sne.s32 s8, $0x17C00;
	s8 =	sadd.s32 $0x400, s8;
	_ =	swait.ge [sflag:s4], $0x2000  }
0x60: {  	s10 =	sadd.s32 s10, s6;
	[sflag:s4] =	ssyncset.done $0x0  }
0x61: {  	s11 =	sadd.s32 $0x600, s10;
	[sflag:s4] =	ssyncadd.s32 $0xFFFFE000  }
0x62: {  	[tilespmem:s22], [sflag:$0x2] =	stream.linear.gather [hbm4b:s11+s3], $0x100, $0x38;
	[tilespmem:$0x1C900] =	vst v63  }
0x63: {  	s11 =	sadd.s32 $0xFFFF8000, s9  }
0x64: {  	[tilespmem:s23], [sflag:$0x4] =	stream.strided.gather [hbm4b:s11+s19], $0x2000, s20, s19, $0x38;
	[tilespmem:$0x1C900] =	vst v63  }
0x65: {  	_ =	swait.ge [sflag:s24], $0x100  }
0x66: {  	[sflag:s24] =	ssyncset.done $0x0  }
0x67: {  	[sflag:s24] =	ssyncadd.s32 $0xFFFFFF00  }
0x68: {  	_ =	swait.ge [sflag:s25], $0x2000  }
0x69: {  	[sflag:s25] =	ssyncset.done $0x0  }
0x6a: {  	[sflag:s25] =	ssyncadd.s32 $0xFFFFE000  }
0x6b: {  	[spmem:s2] =	stream.indirect.scatter.add.f32 [tilespmem:s21], [sflag:$0x5], $0x20, s3, s26, $0xb8;
	[tilespmem:$0x1C900] =	vst v63  }
0x6c: {  	_ = 	snop  }
0x6d: {  	[spmem:s2] =	stream.indirect.scatter.add.f32 [tilespmem:s28], [sflag:$0x5], $0x20, s26, s26, $0xb8;
	[tilespmem:$0x1C900] =	vst v63  }
0x6e: {  	_ =	swait.ge [sflag:s29], $0x2000  }
0x6f: {  	[sflag:s29] =	ssyncset.done $0x0  }
0x70: {  	s10 =	sadd.s32 $0x800, s10;
	[sflag:s29] =	ssyncadd.s32 $0xFFFFE000  }
0x71: {  	[tilespmem:s3], [sflag:$0x1] =	stream.linear.gather [hbm4b:s10+s3], $0x100, $0x38;
	[tilespmem:$0x1C900] =	vst v63  }
0x72: {  	_ = 	snop  }
0x73: {  	[tilespmem:s21], [sflag:$0x3] =	stream.strided.gather [hbm4b:s9+s19], $0x2000, s20, s19, $0x38;
	[tilespmem:$0x1C900] =	vst v63  }
0x74: {  	_ =	swait.ge [sflag:s30], $0x100  }
0x75: {  	[sflag:s30] =	ssyncset.done $0x0  }
0x76: {  	[sflag:s30] =	ssyncadd.s32 $0xFFFFFF00  }
.Ltmp0:
0x77: {  	_ =	swait.ge [sflag:s31], $0x2000;
	(pc) =	sbr.rel @p2 .LBB2_2-.Ltmp0, $4  }
0x78: {  	[sflag:s31] =	ssyncset.done $0x0  }
0x79: {  	[sflag:s31] =	ssyncadd.s32 $0xFFFFE000  }
0x7a: {  	[spmem:s2] =	stream.indirect.scatter.add.f32 [tilespmem:s23], [sflag:$0x6], $0x20, s22, s26, $0xb8;
	[tilespmem:$0x1C900] =	vst v63  }
0x7b: {  	s9 =	sadd.s32 $0x10000, s9  }
0x7c: {  	[spmem:s2] =	stream.indirect.scatter.add.f32 [tilespmem:s1], [sflag:$0x6], $0x20, s0, s26, $0xb8;
	[tilespmem:$0x1C900] =	vst v63  }
0x7d: {  	_ =	swait.ge [sflag:s4], $0x2000  }
0x7e: {  	[sflag:s4] =	ssyncset.done $0x0  }
0x7f: {  	s8 =	simm.s32 @!p0 $0x0;
	s9 =	simm.s32 @!p0 $0x100;
	[sflag:s4] =	ssyncadd.s32 $0xFFFFE000  }
0x80: {  	[tilespmem:s9], [sflag:$0x2] =	stream.linear.gather @!p0 [hbm4b:s14+s8], $0x100, $0x38;
	[tilespmem:$0x1C900] =	vst v63  }
0x81: {  	s10 =	simm.s32 @!p0 $0x40;
	s11 =	simm.s32 @!p0 $0x2200;
	s8 =	simm.s32 @!p0 $0x20  }
0x82: {  	[tilespmem:s11], [sflag:$0x4] =	stream.strided.gather @!p0 [hbm4b:s15+s8], $0x2000, s10, s8, $0x38;
	[tilespmem:$0x1C900] =	vst v63  }
0x83: {  	_ =	swait.ge [sflag:s24], $0x100  }
0x84: {  	[sflag:s24] =	ssyncset.done $0x0  }
0x85: {  	[sflag:s24] =	ssyncadd.s32 $0xFFFFFF00  }
0x86: {  	_ =	swait.ge [sflag:s25], $0x2000  }
0x87: {  	[sflag:s25] =	ssyncset.done $0x0  }
0x88: {  	[sflag:s25] =	ssyncadd.s32 $0xFFFFE000  }
0x89: {  	[spmem:s2] =	stream.indirect.scatter.add.f32 [tilespmem:s21], [sflag:$0x5], $0x20, s3, s26, $0xb8;
	[tilespmem:$0x1C900] =	vst v63  }
0x8a: {  	_ = 	snop  }
0x8b: {  	[spmem:s2] =	stream.indirect.scatter.add.f32 [tilespmem:s28], [sflag:$0x5], $0x20, s26, s26, $0xb8;
	[tilespmem:$0x1C900] =	vst v63  }
0x8c: {  	_ =	swait.ge [sflag:s29], $0x2000  }
0x8d: {  	[sflag:s29] =	ssyncset.done $0x0  }
0x8e: {  	s8 =	simm.s32 @!p0 $0x2;
	[sflag:s29] =	ssyncadd.s32 $0xFFFFE000  }
0x8f: {  	_ =	swait.ge @!p0 [sflag:s8], $0x100  }
0x90: {  	[sflag:s8] =	ssyncset.done @!p0 $0x0  }
0x91: {  	[sflag:s8] =	ssyncadd.s32 @!p0 $0xFFFFFF00;
	s8 =	simm.s32 @!p0 $0x4  }
0x92: {  	_ =	swait.ge @!p0 [sflag:s8], $0x2000  }
0x93: {  	[sflag:s8] =	ssyncset.done @!p0 $0x0  }
0x94: {  	[sflag:s8] =	ssyncadd.s32 @!p0 $0xFFFFE000;
	s8 =	simm.s32 @!p0 $0x80  }
0x95: {  	[spmem:s2] =	stream.indirect.scatter.add.f32 @!p0 [tilespmem:s11], [sflag:$0x6], $0x20, s9, s8, $0xb8;
	[tilespmem:$0x1C900] =	vst v63  }
0x96: {  	s10 =	simm.s32 @!p0 $0x3200;
	s9 =	simm.s32 @!p0 $0x180  }
0x97: {  	[spmem:s2] =	stream.indirect.scatter.add.f32 @!p0 [tilespmem:s10], [sflag:$0x6], $0x20, s9, s8, $0xb8;
	[tilespmem:$0x1C900] =	vst v63  }
0x98: {  	s8 =	simm.s32 @!p1 $0x6  }
0x99: {  	_ =	swait.ge @!p1 [sflag:s8], $0x2000  }
0x9a: {  	[sflag:s8] =	ssyncset.done @!p1 $0x0  }
0x9b: {  	[sflag:s8] =	ssyncadd.s32 @!p1 $0xFFFFE000  }
0x9c: {  	[bflag:$0x0] =	sbarrier.arrive $0xFFFF  }
0x9d: {  	s10 =	rddreg [dreg:$0x6]  }
0x9e: {  	[hbm:s10], [sflag:s5] =	dma.local [spmem:s17], $0x30E0  }
0x9f: {  	_ =	swait.ge [sflag:s18], $0x30E0  }
0xa0: {  	s7 =	sadd.s32 $0x1, s7;
	s11 =	rddreg [dreg:$0x7]  }
0xa1: {  	p2 =	sne.s32 s7, s11  }
.Ltmp1:
0xa2: {  	_ = 	snop;
	(pc) =	sbr.rel @p2 .LBB2_1-.Ltmp1, $3  }
0xa3: {  	_ =	sdelay $0x1  }
0xa4: {  	[sflag:s18] =	ssyncset.done $0x0  }
0xa5: {  	[sflag:s18] =	ssyncadd.s32 $0xFFFFCF20  }
0xa6: {  	_ =	sfence.sel $0x180000  }
0xa7: {  	[bflag:$0x0] =	sbarrier.arrive $0xFFFF  }
0xa8: {  	_ =	strace $0x9000004A  }
0xa9: {  	s0 =	stileid.u32;
	[bflag:$0x2] =	sbarrier.arrive $0xFFFF  }
0xaa: {  	p0 =	sne.s32 s0, $0x0;
	s0 =	rddreg [dreg:$0x3]  }
0xab: {  	s0 =	sadd.s32 @!p0 $0x100000, s0  }
0xac: {  	[sflag:s0] =	ssyncadd.tile.s32 @!p0 $0x1;
	_ =	shalt  }
.Lfunc_end2:
_tile_overlayer_lowered:
.L_overlay_start_2:
0xad: {  	(tag) =	ssettag $0x2  }
0xae: {  	s0 =	rddreg [dreg:$0x0];
	s2 =	stileid.u32  }
0xaf: {  	s1 =	rddreg [dreg:$0x1];
	p0 =	sne.s32 s2, $0x0  }
0xb0: {  	s3 =	rddreg [dreg:$0x2];
	[bflag:$0x3] =	sbarrier.arrive $0xFFFF;
	s2 =	simm.s32 @!p0 $0x1C07  }
0xb1: {  	[timem:s3], [sflag:s2] =	dma.local @!p0 [hbm:s0], s1  }
0xb2: {  	s0 =	simm.s32 @!p0 $0x7  }
0xb3: {  	_ =	swait.ge @!p0 [sflag:s0], s1  }
0xb4: {  	s1 =	ssub.s32 @!p0 $0x0, s1;
	[sflag:s0] =	ssyncset.done @!p0 $0x0  }
0xb5: {  	[sflag:s0] =	ssyncadd.s32 @!p0 s1  }
0xb6: {  	[bflag:$0x3] =	sbarrier.arrive $0xFFFF  }
0xb7: {  	_ =	shalt  }

</sc_bundles>
